<compile_context>
chip_gen: v7x
topology: tpu7x:2x2x1
jax: 0.10.2.dev20260603
libtpu: 0.0.44.dev20260713+nightly
codegen_flags: <defaults>
</compile_context>

<pallas_src>
import functools

import jax
import jax.numpy as jnp
from jax import lax
from jax.experimental import pallas as pl
from jax.experimental.pallas import tpu as pltpu
from jax.experimental.pallas import tpu_sc as plsc

NC, NS, L = 2, 16, 16
NW = NC * NS
B, S, D = 4096, 200, 64
TOTAL = B * S
ROWS_PW = TOTAL // NW
CHUNK = S
CHUNKS_PW = ROWS_PW // CHUNK
NBUF = 4
G0, G1 = 128, CHUNK - 128

C3 = -1.0 / 6.0
C5 = 1.0 / 120.0
C7 = -1.0 / 5040.0


def _sc_embed(idx_flat, token_embedding, position_embedding, phase, amp):
    mesh = plsc.VectorSubcoreMesh(
        core_axis_name="c", subcore_axis_name="s",
        num_cores=NC, num_subcores=NS)

    @functools.partial(
        pl.kernel,
        out_type=jax.ShapeDtypeStruct((TOTAL, D), jnp.float32),
        mesh=mesh,
        scratch_types=[
            pltpu.VMEM((ROWS_PW,), jnp.int32),
            pltpu.VMEM((CHUNK, D), jnp.float32),
            pltpu.VMEM((CHUNK, D), jnp.float32),
            pltpu.VMEM((CHUNK, D), jnp.float32),
            pltpu.VMEM((CHUNK, D), jnp.float32),
            pltpu.VMEM((S, D), jnp.float32),
            pltpu.VMEM((D,), jnp.float32),
            pltpu.VMEM((D,), jnp.float32),
            pltpu.SemaphoreType.DMA,
            pltpu.SemaphoreType.DMA,
            pltpu.SemaphoreType.DMA,
            pltpu.SemaphoreType.DMA,
            pltpu.SemaphoreType.DMA,
            pltpu.SemaphoreType.DMA,
            pltpu.SemaphoreType.DMA,
            pltpu.SemaphoreType.DMA,
        ],
        compiler_params=pltpu.CompilerParams(use_tc_tiling_on_sc=False),
    )
    def body(idx_hbm, tok_hbm, pos_hbm, phase_hbm, amp_hbm, out_hbm,
             idx_v, rows0, rows1, rows2, rows3, pos_v, phase_v, amp_v,
             gsem0, gsem1, gsem2, gsem3, osem0, osem1, osem2, osem3):
        bufs = (rows0, rows1, rows2, rows3)
        gsems = (gsem0, gsem1, gsem2, gsem3)
        osems = (osem0, osem1, osem2, osem3)
        wid = lax.axis_index("s") * NC + lax.axis_index("c")
        base = wid * ROWS_PW
        pltpu.sync_copy(idx_hbm.at[pl.ds(base, ROWS_PW)], idx_v)
        pltpu.sync_copy(pos_hbm.at[pl.ds(0, S), :], pos_v)
        pltpu.sync_copy(phase_hbm, phase_v)
        pltpu.sync_copy(amp_hbm, amp_v)

        ph = [phase_v[pl.ds(j * L, L)] for j in range(D // L)]
        am = [amp_v[pl.ds(j * L, L)] for j in range(D // L)]

        def fire_gather(c, buf, sem):
            off = c * CHUNK
            pltpu.async_copy(tok_hbm.at[idx_v.at[pl.ds(off, G0)]],
                             buf.at[pl.ds(0, G0), :], sem)
            pltpu.async_copy(tok_hbm.at[idx_v.at[pl.ds(off + G0, G1)]],
                             buf.at[pl.ds(G0, G1), :], sem)

        def drain_gather(c, buf, sem):
            off = c * CHUNK
            pltpu.make_async_copy(tok_hbm.at[idx_v.at[pl.ds(off, G0)]],
                                  buf.at[pl.ds(0, G0), :], sem).wait()
            pltpu.make_async_copy(tok_hbm.at[idx_v.at[pl.ds(off + G0, G1)]],
                                  buf.at[pl.ds(G0, G1), :], sem).wait()

        def fire_out(c, buf, sem):
            pltpu.async_copy(buf, out_hbm.at[pl.ds(base + c * CHUNK, CHUNK), :],
                             sem)

        def drain_out(c, buf, sem):
            pltpu.make_async_copy(buf,
                                  out_hbm.at[pl.ds(base + c * CHUNK, CHUNK), :],
                                  sem).wait()

        def compute(buf):
            @plsc.parallel_loop(0, CHUNK, 1, unroll=2)
            def _(i):
                for j in range(D // L):
                    sl = pl.ds(j * L, L)
                    t = buf[i, sl]
                    x = t * ph[j]
                    x2 = x * x
                    u = x2 * C7 + C5
                    u = u * x2 + C3
                    u = u * x2 + 1.0
                    buf[i, sl] = t * am[j] + u * x + pos_v[i, sl]

        fire_gather(0, bufs[0], gsems[0])
        fire_gather(1, bufs[1], gsems[1])
        fire_gather(2, bufs[2], gsems[2])
        NG = CHUNKS_PW // NBUF

        def group(g, carry):
            for q in range(NBUF):
                c = NBUF * g + q
                drain_gather(c, bufs[q], gsems[q])
                compute(bufs[q])
                fire_out(c, bufs[q], osems[q])
                nb = (q + NBUF - 1) % NBUF
                if q == 0:
                    @pl.when(g > 0)
                    def _(c=c, nb=nb):
                        drain_out(c - 1, bufs[nb], osems[nb])

                    fire_gather(c + NBUF - 1, bufs[nb], gsems[nb])
                else:
                    drain_out(c - 1, bufs[nb], osems[nb])

                    @pl.when(g < NG - 1)
                    def _(c=c, nb=nb):
                        fire_gather(c + NBUF - 1, bufs[nb], gsems[nb])
            return carry

        lax.fori_loop(0, NG, group, 0)
        drain_out(CHUNKS_PW - 1, bufs[NBUF - 1], osems[NBUF - 1])

    return body(idx_flat, token_embedding, position_embedding, phase, amp)


def kernel(input_ids, token_embedding, position_embedding,
           phase_modulation, amplitude_modulation):
    idx_flat = input_ids.reshape(TOTAL)
    out = _sc_embed(idx_flat, token_embedding, position_embedding,
                    phase_modulation, amplitude_modulation)
    return out.reshape(B, S, D)

# --- scband reference (transcript-rebuilt; emitter-appended) ---
"""Pipeline reference for scband-micro-embedding-42657615184447 (READ-ONLY COPY).

The authoritative reference and input builder live on the scoring server;
editing this copy changes nothing except your own understanding.
"""

import jax, jax.numpy as jnp
import numpy as np

VOCAB_SIZE = 1000000
D_MODEL = 64
MAX_SEQ_LEN = 256
BATCH = 4096
SEQ_LEN = 200


def setup_inputs(seed: int = 0) -> dict:
    key = jax.random.key(seed)
    k_ids, k_tok, k_pos, k_phase = jax.random.split(key, 4)
    input_ids = jax.random.randint(k_ids, (BATCH, SEQ_LEN), 0, VOCAB_SIZE, dtype=jnp.int64 if jax.config.jax_enable_x64 else jnp.int32).astype(jnp.int32)
    token_embedding = jax.random.normal(k_tok, (VOCAB_SIZE, D_MODEL), dtype=jnp.float32) * 0.02
    position_embedding = jax.random.normal(k_pos, (MAX_SEQ_LEN, D_MODEL), dtype=jnp.float32) * 0.02
    phase_modulation = jax.random.normal(k_phase, (D_MODEL,), dtype=jnp.float32) * 0.1
    amplitude_modulation = jnp.ones((D_MODEL,), dtype=jnp.float32)
    return {
        "input_ids": input_ids,
        "token_embedding": token_embedding,
        "position_embedding": position_embedding,
        "phase_modulation": phase_modulation,
        "amplitude_modulation": amplitude_modulation,
    }


def reference(input_ids, token_embedding, position_embedding, phase_modulation, amplitude_modulation):
    batch_size, seq_len = input_ids.shape
    # token embedding lookup (gather)
    token_emb = jnp.take(token_embedding, input_ids, axis=0)  # [B, S, D]
    # position embedding slice
    pos_emb = position_embedding[:seq_len][None, :, :]  # [1, S, D]
    # phase modulation
    phase = jnp.sin(token_emb * phase_modulation[None, None, :])
    # amplitude modulation
    amplitude = amplitude_modulation[None, None, :]
    return token_emb * amplitude + phase + pos_emb

if __name__ == "__main__":
    import jax
    _d = setup_inputs()
    print(jax.jit(kernel)(*tuple(_d.values())))

</pallas_src>

<mosaic_0001>
#map = affine_map<(d0, d1) -> (0)>
#map1 = affine_map<(d0, d1) -> (0, 0)>
module attributes {stable_mosaic.version = 14 : i64} {
  func.func @body(%arg0: i32, %arg1: i32, %arg2: memref<819200xi32, #tpu.memory_space<hbm>>, %arg3: memref<1000000x64xf32, #tpu.memory_space<hbm>>, %arg4: memref<256x64xf32, #tpu.memory_space<hbm>>, %arg5: memref<64xf32, #tpu.memory_space<hbm>>, %arg6: memref<64xf32, #tpu.memory_space<hbm>>, %arg7: memref<819200x64xf32, #tpu.memory_space<hbm>>, %arg8: memref<25600xi32, #tpu.memory_space<vmem>>, %arg9: memref<200x64xf32, #tpu.memory_space<vmem>>, %arg10: memref<200x64xf32, #tpu.memory_space<vmem>>, %arg11: memref<200x64xf32, #tpu.memory_space<vmem>>, %arg12: memref<200x64xf32, #tpu.memory_space<vmem>>, %arg13: memref<200x64xf32, #tpu.memory_space<vmem>>, %arg14: memref<64xf32, #tpu.memory_space<vmem>>, %arg15: memref<64xf32, #tpu.memory_space<vmem>>, %arg16: memref<!tpu.dma_semaphore, #tpu.memory_space<semaphore_mem>>, %arg17: memref<!tpu.dma_semaphore, #tpu.memory_space<semaphore_mem>>, %arg18: memref<!tpu.dma_semaphore, #tpu.memory_space<semaphore_mem>>, %arg19: memref<!tpu.dma_semaphore, #tpu.memory_space<semaphore_mem>>, %arg20: memref<!tpu.dma_semaphore, #tpu.memory_space<semaphore_mem>>, %arg21: memref<!tpu.dma_semaphore, #tpu.memory_space<semaphore_mem>>, %arg22: memref<!tpu.dma_semaphore, #tpu.memory_space<semaphore_mem>>, %arg23: memref<!tpu.dma_semaphore, #tpu.memory_space<semaphore_mem>>) attributes {dimension_semantics = [#tpu.dimension_semantics<core_parallel>, #tpu.dimension_semantics<subcore_parallel>], iteration_bounds = array<i64: 2, 16>, scalar_prefetch = 0 : i64, scratch_operands = 16 : i64, tpu.core_type = #tpu.core_type<sc_vector_subcore>, window_params = [{transform_indices = #map}, {transform_indices = #map1}, {transform_indices = #map1}, {transform_indices = #map}, {transform_indices = #map}, {transform_indices = #map1}]} {
    %mul3A = arith.constant 2 : i32
    %mul3A_0 = arith.muli %arg1, %mul3A : i32
    %add3A = arith.addi %mul3A_0, %arg0 : i32
    %mul3A_1 = arith.constant 25600 : i32
    %mul3A_2 = arith.muli %add3A, %mul3A_1 : i32
    "tpu.region"() ({
      %run_scoped3A = tpu.sem_alloc : memref<!tpu.dma_semaphore, #tpu.memory_space<semaphore_mem>>
      %dma_start3A_83 = tpu.memref_slice %arg2[%mul3A_2] : memref<819200xi32, #tpu.memory_space<hbm>> -> memref<25600xi32, #tpu.memory_space<hbm>>
      %dma_start3A_84 = tpu.memref_slice %arg2[%mul3A_2] : memref<819200xi32, #tpu.memory_space<hbm>> -> memref<25600xi32, #tpu.memory_space<hbm>>
      tpu.enqueue_dma source(%dma_start3A_84 : memref<25600xi32, #tpu.memory_space<hbm>>) target(%arg8 : memref<25600xi32, #tpu.memory_space<vmem>>) target_semaphore(%run_scoped3A : memref<!tpu.dma_semaphore, #tpu.memory_space<semaphore_mem>>)
      %dma_wait3A_85 = tpu.memref_slice %arg2[%mul3A_2] : memref<819200xi32, #tpu.memory_space<hbm>> -> memref<25600xi32, #tpu.memory_space<hbm>>
      %dma_wait3A_86 = tpu.memref_slice %arg2[%mul3A_2] : memref<819200xi32, #tpu.memory_space<hbm>> -> memref<25600xi32, #tpu.memory_space<hbm>>
      tpu.wait_dma2 semaphore(%run_scoped3A : memref<!tpu.dma_semaphore, #tpu.memory_space<semaphore_mem>>) src(%dma_wait3A_86 : memref<25600xi32, #tpu.memory_space<hbm>>) dst(%arg8 : memref<25600xi32, #tpu.memory_space<vmem>>)
      tpu.yield
    }) : () -> ()
    "tpu.region"() ({
      %run_scoped3A = tpu.sem_alloc : memref<!tpu.dma_semaphore, #tpu.memory_space<semaphore_mem>>
      %dma_start3A_83 = arith.constant 0 : i32
      %dma_start3A_84 = arith.constant 0 : i32
      %dma_start3A_85 = tpu.memref_slice %arg4[%dma_start3A_83, %dma_start3A_84] : memref<256x64xf32, #tpu.memory_space<hbm>> -> memref<200x64xf32, #tpu.memory_space<hbm>>
      %dma_start3A_86 = arith.constant 0 : i32
      %dma_start3A_87 = arith.constant 0 : i32
      %dma_start3A_88 = tpu.memref_slice %arg4[%dma_start3A_86, %dma_start3A_87] : memref<256x64xf32, #tpu.memory_space<hbm>> -> memref<200x64xf32, #tpu.memory_space<hbm>>
      tpu.enqueue_dma source(%dma_start3A_88 : memref<200x64xf32, #tpu.memory_space<hbm>>) target(%arg13 : memref<200x64xf32, #tpu.memory_space<vmem>>) target_semaphore(%run_scoped3A : memref<!tpu.dma_semaphore, #tpu.memory_space<semaphore_mem>>)
      %dma_wait3A_89 = arith.constant 0 : i32
      %dma_wait3A_90 = arith.constant 0 : i32
      %dma_wait3A_91 = tpu.memref_slice %arg4[%dma_wait3A_89, %dma_wait3A_90] : memref<256x64xf32, #tpu.memory_space<hbm>> -> memref<200x64xf32, #tpu.memory_space<hbm>>
      %dma_wait3A_92 = arith.constant 0 : i32
      %dma_wait3A_93 = arith.constant 0 : i32
      %dma_wait3A_94 = tpu.memref_slice %arg4[%dma_wait3A_92, %dma_wait3A_93] : memref<256x64xf32, #tpu.memory_space<hbm>> -> memref<200x64xf32, #tpu.memory_space<hbm>>
      tpu.wait_dma2 semaphore(%run_scoped3A : memref<!tpu.dma_semaphore, #tpu.memory_space<semaphore_mem>>) src(%dma_wait3A_94 : memref<200x64xf32, #tpu.memory_space<hbm>>) dst(%arg13 : memref<200x64xf32, #tpu.memory_space<vmem>>)
      tpu.yield
    }) : () -> ()
    "tpu.region"() ({
      %run_scoped3A = tpu.sem_alloc : memref<!tpu.dma_semaphore, #tpu.memory_space<semaphore_mem>>
      tpu.enqueue_dma source(%arg5 : memref<64xf32, #tpu.memory_space<hbm>>) target(%arg14 : memref<64xf32, #tpu.memory_space<vmem>>) target_semaphore(%run_scoped3A : memref<!tpu.dma_semaphore, #tpu.memory_space<semaphore_mem>>)
      tpu.wait_dma2 semaphore(%run_scoped3A : memref<!tpu.dma_semaphore, #tpu.memory_space<semaphore_mem>>) src(%arg5 : memref<64xf32, #tpu.memory_space<hbm>>) dst(%arg14 : memref<64xf32, #tpu.memory_space<vmem>>)
      tpu.yield
    }) : () -> ()
    "tpu.region"() ({
      %run_scoped3A = tpu.sem_alloc : memref<!tpu.dma_semaphore, #tpu.memory_space<semaphore_mem>>
      tpu.enqueue_dma source(%arg6 : memref<64xf32, #tpu.memory_space<hbm>>) target(%arg15 : memref<64xf32, #tpu.memory_space<vmem>>) target_semaphore(%run_scoped3A : memref<!tpu.dma_semaphore, #tpu.memory_space<semaphore_mem>>)
      tpu.wait_dma2 semaphore(%run_scoped3A : memref<!tpu.dma_semaphore, #tpu.memory_space<semaphore_mem>>) src(%arg6 : memref<64xf32, #tpu.memory_space<hbm>>) dst(%arg15 : memref<64xf32, #tpu.memory_space<vmem>>)
      tpu.yield
    }) : () -> ()
    %get3A = arith.constant 0 : index
    %get3A_3 = tpu.vector_load %arg14[%get3A] {strides = array<i32>} : memref<64xf32, #tpu.memory_space<vmem>>, vector<16xf32>,
    %get3A_4 = vector.shape_cast %get3A_3 : vector<16xf32> to vector<16xf32>
    %get3A_5 = arith.constant 16 : index
    %get3A_6 = tpu.vector_load %arg14[%get3A_5] {strides = array<i32>} : memref<64xf32, #tpu.memory_space<vmem>>, vector<16xf32>,
    %get3A_7 = vector.shape_cast %get3A_6 : vector<16xf32> to vector<16xf32>
    %get3A_8 = arith.constant 32 : index
    %get3A_9 = tpu.vector_load %arg14[%get3A_8] {strides = array<i32>} : memref<64xf32, #tpu.memory_space<vmem>>, vector<16xf32>,
    %get3A_10 = vector.shape_cast %get3A_9 : vector<16xf32> to vector<16xf32>
    %get3A_11 = arith.constant 48 : index
    %get3A_12 = tpu.vector_load %arg14[%get3A_11] {strides = array<i32>} : memref<64xf32, #tpu.memory_space<vmem>>, vector<16xf32>,
    %get3A_13 = vector.shape_cast %get3A_12 : vector<16xf32> to vector<16xf32>
    %get3A_14 = arith.constant 0 : index
    %get3A_15 = tpu.vector_load %arg15[%get3A_14] {strides = array<i32>} : memref<64xf32, #tpu.memory_space<vmem>>, vector<16xf32>,
    %get3A_16 = vector.shape_cast %get3A_15 : vector<16xf32> to vector<16xf32>
    %get3A_17 = arith.constant 16 : index
    %get3A_18 = tpu.vector_load %arg15[%get3A_17] {strides = array<i32>} : memref<64xf32, #tpu.memory_space<vmem>>, vector<16xf32>,
    %get3A_19 = vector.shape_cast %get3A_18 : vector<16xf32> to vector<16xf32>
    %get3A_20 = arith.constant 32 : index
    %get3A_21 = tpu.vector_load %arg15[%get3A_20] {strides = array<i32>} : memref<64xf32, #tpu.memory_space<vmem>>, vector<16xf32>,
    %get3A_22 = vector.shape_cast %get3A_21 : vector<16xf32> to vector<16xf32>
    %get3A_23 = arith.constant 48 : index
    %get3A_24 = tpu.vector_load %arg15[%get3A_23] {strides = array<i32>} : memref<64xf32, #tpu.memory_space<vmem>>, vector<16xf32>,
    %get3A_25 = vector.shape_cast %get3A_24 : vector<16xf32> to vector<16xf32>
    %dma_start3A = arith.constant 0 : i32
    %dma_start3A_26 = arith.constant 0 : i32
    %dma_start3A_27 = tpu.memref_slice %arg9[%dma_start3A, %dma_start3A_26] : memref<200x64xf32, #tpu.memory_space<vmem>> -> memref<128x64xf32, #tpu.memory_space<vmem>>
    %dma_start3A_28 = arith.constant 0 : i32
    %dma_start3A_29 = tpu.memref_slice %arg8[%dma_start3A_28] : memref<25600xi32, #tpu.memory_space<vmem>> -> memref<128xi32, #tpu.memory_space<vmem>>
    %dma_start3A_30 = arith.constant 0 : i32
    %dma_start3A_31 = arith.constant 0 : i32
    %dma_start3A_32 = tpu.memref_slice %arg3[%dma_start3A_30, %dma_start3A_31] : memref<1000000x64xf32, #tpu.memory_space<hbm>> -> memref<1000000x64xf32, #tpu.memory_space<hbm>>
    tpu.enqueue_indirect_dma source(%dma_start3A_32 : memref<1000000x64xf32, #tpu.memory_space<hbm>>) target(%dma_start3A_27 : memref<128x64xf32, #tpu.memory_space<vmem>>) offsets(%dma_start3A_29 : memref<128xi32, #tpu.memory_space<vmem>>) semaphore(%arg16 : memref<!tpu.dma_semaphore, #tpu.memory_space<semaphore_mem>>)
    %dma_start3A_33 = arith.constant 128 : i32
    %dma_start3A_34 = arith.constant 0 : i32
    %dma_start3A_35 = tpu.memref_slice %arg9[%dma_start3A_33, %dma_start3A_34] : memref<200x64xf32, #tpu.memory_space<vmem>> -> memref<72x64xf32, #tpu.memory_space<vmem>>
    %dma_start3A_36 = arith.constant 128 : i32
    %dma_start3A_37 = tpu.memref_slice %arg8[%dma_start3A_36] : memref<25600xi32, #tpu.memory_space<vmem>> -> memref<72xi32, #tpu.memory_space<vmem>>
    %dma_start3A_38 = arith.constant 0 : i32
    %dma_start3A_39 = arith.constant 0 : i32
    %dma_start3A_40 = tpu.memref_slice %arg3[%dma_start3A_38, %dma_start3A_39] : memref<1000000x64xf32, #tpu.memory_space<hbm>> -> memref<1000000x64xf32, #tpu.memory_space<hbm>>
    tpu.enqueue_indirect_dma source(%dma_start3A_40 : memref<1000000x64xf32, #tpu.memory_space<hbm>>) target(%dma_start3A_35 : memref<72x64xf32, #tpu.memory_space<vmem>>) offsets(%dma_start3A_37 : memref<72xi32, #tpu.memory_space<vmem>>) semaphore(%arg16 : memref<!tpu.dma_semaphore, #tpu.memory_space<semaphore_mem>>)
    %dma_start3A_41 = arith.constant 0 : i32
    %dma_start3A_42 = arith.constant 0 : i32
    %dma_start3A_43 = tpu.memref_slice %arg10[%dma_start3A_41, %dma_start3A_42] : memref<200x64xf32, #tpu.memory_space<vmem>> -> memref<128x64xf32, #tpu.memory_space<vmem>>
    %dma_start3A_44 = arith.constant 200 : i32
    %dma_start3A_45 = tpu.memref_slice %arg8[%dma_start3A_44] : memref<25600xi32, #tpu.memory_space<vmem>> -> memref<128xi32, #tpu.memory_space<vmem>>
    %dma_start3A_46 = arith.constant 0 : i32
    %dma_start3A_47 = arith.constant 0 : i32
    %dma_start3A_48 = tpu.memref_slice %arg3[%dma_start3A_46, %dma_start3A_47] : memref<1000000x64xf32, #tpu.memory_space<hbm>> -> memref<1000000x64xf32, #tpu.memory_space<hbm>>
    tpu.enqueue_indirect_dma source(%dma_start3A_48 : memref<1000000x64xf32, #tpu.memory_space<hbm>>) target(%dma_start3A_43 : memref<128x64xf32, #tpu.memory_space<vmem>>) offsets(%dma_start3A_45 : memref<128xi32, #tpu.memory_space<vmem>>) semaphore(%arg17 : memref<!tpu.dma_semaphore, #tpu.memory_space<semaphore_mem>>)
    %dma_start3A_49 = arith.constant 128 : i32
    %dma_start3A_50 = arith.constant 0 : i32
    %dma_start3A_51 = tpu.memref_slice %arg10[%dma_start3A_49, %dma_start3A_50] : memref<200x64xf32, #tpu.memory_space<vmem>> -> memref<72x64xf32, #tpu.memory_space<vmem>>
    %dma_start3A_52 = arith.constant 328 : i32
    %dma_start3A_53 = tpu.memref_slice %arg8[%dma_start3A_52] : memref<25600xi32, #tpu.memory_space<vmem>> -> memref<72xi32, #tpu.memory_space<vmem>>
    %dma_start3A_54 = arith.constant 0 : i32
    %dma_start3A_55 = arith.constant 0 : i32
    %dma_start3A_56 = tpu.memref_slice %arg3[%dma_start3A_54, %dma_start3A_55] : memref<1000000x64xf32, #tpu.memory_space<hbm>> -> memref<1000000x64xf32, #tpu.memory_space<hbm>>
    tpu.enqueue_indirect_dma source(%dma_start3A_56 : memref<1000000x64xf32, #tpu.memory_space<hbm>>) target(%dma_start3A_51 : memref<72x64xf32, #tpu.memory_space<vmem>>) offsets(%dma_start3A_53 : memref<72xi32, #tpu.memory_space<vmem>>) semaphore(%arg17 : memref<!tpu.dma_semaphore, #tpu.memory_space<semaphore_mem>>)
    %dma_start3A_57 = arith.constant 0 : i32
    %dma_start3A_58 = arith.constant 0 : i32
    %dma_start3A_59 = tpu.memref_slice %arg11[%dma_start3A_57, %dma_start3A_58] : memref<200x64xf32, #tpu.memory_space<vmem>> -> memref<128x64xf32, #tpu.memory_space<vmem>>
    %dma_start3A_60 = arith.constant 400 : i32
    %dma_start3A_61 = tpu.memref_slice %arg8[%dma_start3A_60] : memref<25600xi32, #tpu.memory_space<vmem>> -> memref<128xi32, #tpu.memory_space<vmem>>
    %dma_start3A_62 = arith.constant 0 : i32
    %dma_start3A_63 = arith.constant 0 : i32
    %dma_start3A_64 = tpu.memref_slice %arg3[%dma_start3A_62, %dma_start3A_63] : memref<1000000x64xf32, #tpu.memory_space<hbm>> -> memref<1000000x64xf32, #tpu.memory_space<hbm>>
    tpu.enqueue_indirect_dma source(%dma_start3A_64 : memref<1000000x64xf32, #tpu.memory_space<hbm>>) target(%dma_start3A_59 : memref<128x64xf32, #tpu.memory_space<vmem>>) offsets(%dma_start3A_61 : memref<128xi32, #tpu.memory_space<vmem>>) semaphore(%arg18 : memref<!tpu.dma_semaphore, #tpu.memory_space<semaphore_mem>>)
    %dma_start3A_65 = arith.constant 128 : i32
    %dma_start3A_66 = arith.constant 0 : i32
    %dma_start3A_67 = tpu.memref_slice %arg11[%dma_start3A_65, %dma_start3A_66] : memref<200x64xf32, #tpu.memory_space<vmem>> -> memref<72x64xf32, #tpu.memory_space<vmem>>
    %dma_start3A_68 = arith.constant 528 : i32
    %dma_start3A_69 = tpu.memref_slice %arg8[%dma_start3A_68] : memref<25600xi32, #tpu.memory_space<vmem>> -> memref<72xi32, #tpu.memory_space<vmem>>
    %dma_start3A_70 = arith.constant 0 : i32
    %dma_start3A_71 = arith.constant 0 : i32
    %dma_start3A_72 = tpu.memref_slice %arg3[%dma_start3A_70, %dma_start3A_71] : memref<1000000x64xf32, #tpu.memory_space<hbm>> -> memref<1000000x64xf32, #tpu.memory_space<hbm>>
    tpu.enqueue_indirect_dma source(%dma_start3A_72 : memref<1000000x64xf32, #tpu.memory_space<hbm>>) target(%dma_start3A_67 : memref<72x64xf32, #tpu.memory_space<vmem>>) offsets(%dma_start3A_69 : memref<72xi32, #tpu.memory_space<vmem>>) semaphore(%arg18 : memref<!tpu.dma_semaphore, #tpu.memory_space<semaphore_mem>>)
    %scan3A = arith.constant 0 : i32
    %scan3A_73 = arith.constant 0 : i32
    %scan3A_74 = arith.constant 32 : i32
    %scan3A_75 = arith.addi %scan3A_73, %scan3A_74 : i32
    %scan3A_76 = arith.constant 1 : i32
    scf.for %scan3A_83 = %scan3A_73 to %scan3A_75 step %scan3A_76  : i32 {
      %mul3A_84 = arith.constant 4 : i32
      %mul3A_85 = arith.muli %mul3A_84, %scan3A_83 : i32
      %add3A_86 = arith.constant 0 : i32
      %add3A_87 = arith.addi %mul3A_85, %add3A_86 : i32
      %mul3A_88 = arith.constant 200 : i32
      %mul3A_89 = arith.muli %add3A_87, %mul3A_88 : i32
      %dma_wait3A_90 = arith.constant 0 : i32
      %dma_wait3A_91 = arith.constant 0 : i32
      %dma_wait3A_92 = tpu.memref_slice %arg9[%dma_wait3A_90, %dma_wait3A_91] : memref<200x64xf32, #tpu.memory_space<vmem>> -> memref<128x64xf32, #tpu.memory_space<vmem>>
      %dma_wait3A_93 = tpu.memref_slice %arg8[%mul3A_89] : memref<25600xi32, #tpu.memory_space<vmem>> -> memref<128xi32, #tpu.memory_space<vmem>>
      %dma_wait3A_94 = arith.constant 0 : i32
      %dma_wait3A_95 = arith.constant 0 : i32
      %dma_wait3A_96 = tpu.memref_slice %arg3[%dma_wait3A_94, %dma_wait3A_95] : memref<1000000x64xf32, #tpu.memory_space<hbm>> -> memref<1000000x64xf32, #tpu.memory_space<hbm>>
      tpu.wait_indirect_dma semaphore(%arg16 : memref<!tpu.dma_semaphore, #tpu.memory_space<semaphore_mem>>) src(%dma_wait3A_96 : memref<1000000x64xf32, #tpu.memory_space<hbm>>) dst(%dma_wait3A_92 : memref<128x64xf32, #tpu.memory_space<vmem>>)
      %add3A_97 = arith.constant 128 : i32
      %add3A_98 = arith.addi %mul3A_89, %add3A_97 : i32
      %dma_wait3A_99 = arith.constant 128 : i32
      %dma_wait3A_100 = arith.constant 0 : i32
      %dma_wait3A_101 = tpu.memref_slice %arg9[%dma_wait3A_99, %dma_wait3A_100] : memref<200x64xf32, #tpu.memory_space<vmem>> -> memref<72x64xf32, #tpu.memory_space<vmem>>
      %dma_wait3A_102 = tpu.memref_slice %arg8[%add3A_98] : memref<25600xi32, #tpu.memory_space<vmem>> -> memref<72xi32, #tpu.memory_space<vmem>>
      %dma_wait3A_103 = arith.constant 0 : i32
      %dma_wait3A_104 = arith.constant 0 : i32
      %dma_wait3A_105 = tpu.memref_slice %arg3[%dma_wait3A_103, %dma_wait3A_104] : memref<1000000x64xf32, #tpu.memory_space<hbm>> -> memref<1000000x64xf32, #tpu.memory_space<hbm>>
      tpu.wait_indirect_dma semaphore(%arg16 : memref<!tpu.dma_semaphore, #tpu.memory_space<semaphore_mem>>) src(%dma_wait3A_105 : memref<1000000x64xf32, #tpu.memory_space<hbm>>) dst(%dma_wait3A_101 : memref<72x64xf32, #tpu.memory_space<vmem>>)
      %parallel_loop3A = arith.constant 0 : i32
      %parallel_loop3A_106 = arith.constant 200 : i32
      %parallel_loop3A_107 = arith.constant 1 : i32
      scf.for %parallel_loop3A_275 = %parallel_loop3A to %parallel_loop3A_106 step %parallel_loop3A_107  : i32 {
        %parallel_loop3A_276 = arith.index_cast %parallel_loop3A_275 : i32 to index
        %parallel_loop3A_277 = arith.constant 0 : index
        %parallel_loop3A_278 = tpu.vector_load %arg9[%parallel_loop3A_276, %parallel_loop3A_277] {strides = array<i32>} : memref<200x64xf32, #tpu.memory_space<vmem>>, vector<1x16xf32>,
        %parallel_loop3A_279 = vector.shape_cast %parallel_loop3A_278 : vector<1x16xf32> to vector<16xf32>
        %parallel_loop3A_280 = arith.mulf %parallel_loop3A_279, %get3A_4 : vector<16xf32>
        %parallel_loop3A_281 = arith.mulf %parallel_loop3A_280, %parallel_loop3A_280 : vector<16xf32>
        %parallel_loop3A_282 = arith.constant -1.98412701E-4 : f32
        %parallel_loop3A_283 = vector.broadcast %parallel_loop3A_282 : f32 to vector<16xf32>
        %parallel_loop3A_284 = arith.mulf %parallel_loop3A_281, %parallel_loop3A_283 : vector<16xf32>
        %parallel_loop3A_285 = arith.constant 0.00833333377 : f32
        %parallel_loop3A_286 = vector.broadcast %parallel_loop3A_285 : f32 to vector<16xf32>
        %parallel_loop3A_287 = arith.addf %parallel_loop3A_284, %parallel_loop3A_286 : vector<16xf32>
        %parallel_loop3A_288 = arith.mulf %parallel_loop3A_287, %parallel_loop3A_281 : vector<16xf32>
        %parallel_loop3A_289 = arith.constant -0.166666672 : f32
        %parallel_loop3A_290 = vector.broadcast %parallel_loop3A_289 : f32 to vector<16xf32>
        %parallel_loop3A_291 = arith.addf %parallel_loop3A_288, %parallel_loop3A_290 : vector<16xf32>
        %parallel_loop3A_292 = arith.mulf %parallel_loop3A_291, %parallel_loop3A_281 : vector<16xf32>
        %parallel_loop3A_293 = arith.constant 1.000000e+00 : f32
        %parallel_loop3A_294 = vector.broadcast %parallel_loop3A_293 : f32 to vector<16xf32>
        %parallel_loop3A_295 = arith.addf %parallel_loop3A_292, %parallel_loop3A_294 : vector<16xf32>
        %parallel_loop3A_296 = arith.mulf %parallel_loop3A_279, %get3A_16 : vector<16xf32>
        %parallel_loop3A_297 = arith.mulf %parallel_loop3A_295, %parallel_loop3A_280 : vector<16xf32>
        %parallel_loop3A_298 = arith.addf %parallel_loop3A_296, %parallel_loop3A_297 : vector<16xf32>
        %parallel_loop3A_299 = arith.index_cast %parallel_loop3A_275 : i32 to index
        %parallel_loop3A_300 = arith.constant 0 : index
        %parallel_loop3A_301 = tpu.vector_load %arg13[%parallel_loop3A_299, %parallel_loop3A_300] {strides = array<i32>} : memref<200x64xf32, #tpu.memory_space<vmem>>, vector<1x16xf32>,
        %parallel_loop3A_302 = vector.shape_cast %parallel_loop3A_301 : vector<1x16xf32> to vector<16xf32>
        %parallel_loop3A_303 = arith.addf %parallel_loop3A_298, %parallel_loop3A_302 : vector<16xf32>
        %parallel_loop3A_304 = arith.index_cast %parallel_loop3A_275 : i32 to index
        %parallel_loop3A_305 = arith.constant 0 : index
        %parallel_loop3A_306 = tpu.vector_load %arg9[%parallel_loop3A_304, %parallel_loop3A_305] {strides = array<i32>} : memref<200x64xf32, #tpu.memory_space<vmem>>, vector<1x16xf32>,
        %parallel_loop3A_307 = vector.shape_cast %parallel_loop3A_306 : vector<1x16xf32> to vector<16xf32>
        %parallel_loop3A_308 = vector.shape_cast %parallel_loop3A_303 : vector<16xf32> to vector<1x16xf32>
        tpu.vector_store %arg9[%parallel_loop3A_304, %parallel_loop3A_305], %parallel_loop3A_308 {strides = array<i32>} : memref<200x64xf32, #tpu.memory_space<vmem>>, vector<1x16xf32>,
        %parallel_loop3A_309 = arith.index_cast %parallel_loop3A_275 : i32 to index
        %parallel_loop3A_310 = arith.constant 16 : index
        %parallel_loop3A_311 = tpu.vector_load %arg9[%parallel_loop3A_309, %parallel_loop3A_310] {strides = array<i32>} : memref<200x64xf32, #tpu.memory_space<vmem>>, vector<1x16xf32>,
        %parallel_loop3A_312 = vector.shape_cast %parallel_loop3A_311 : vector<1x16xf32> to vector<16xf32>
        %parallel_loop3A_313 = arith.mulf %parallel_loop3A_312, %get3A_7 : vector<16xf32>
        %parallel_loop3A_314 = arith.mulf %parallel_loop3A_313, %parallel_loop3A_313 : vector<16xf32>
        %parallel_loop3A_315 = arith.constant -1.98412701E-4 : f32
        %parallel_loop3A_316 = vector.broadcast %parallel_loop3A_315 : f32 to vector<16xf32>
        %parallel_loop3A_317 = arith.mulf %parallel_loop3A_314, %parallel_loop3A_316 : vector<16xf32>
        %parallel_loop3A_318 = arith.constant 0.00833333377 : f32
        %parallel_loop3A_319 = vector.broadcast %parallel_loop3A_318 : f32 to vector<16xf32>
        %parallel_loop3A_320 = arith.addf %parallel_loop3A_317, %parallel_loop3A_319 : vector<16xf32>
        %parallel_loop3A_321 = arith.mulf %parallel_loop3A_320, %parallel_loop3A_314 : vector<16xf32>
        %parallel_loop3A_322 = arith.constant -0.166666672 : f32
        %parallel_loop3A_323 = vector.broadcast %parallel_loop3A_322 : f32 to vector<16xf32>
        %parallel_loop3A_324 = arith.addf %parallel_loop3A_321, %parallel_loop3A_323 : vector<16xf32>
        %parallel_loop3A_325 = arith.mulf %parallel_loop3A_324, %parallel_loop3A_314 : vector<16xf32>
        %parallel_loop3A_326 = arith.constant 1.000000e+00 : f32
        %parallel_loop3A_327 = vector.broadcast %parallel_loop3A_326 : f32 to vector<16xf32>
        %parallel_loop3A_328 = arith.addf %parallel_loop3A_325, %parallel_loop3A_327 : vector<16xf32>
        %parallel_loop3A_329 = arith.mulf %parallel_loop3A_312, %get3A_19 : vector<16xf32>
        %parallel_loop3A_330 = arith.mulf %parallel_loop3A_328, %parallel_loop3A_313 : vector<16xf32>
        %parallel_loop3A_331 = arith.addf %parallel_loop3A_329, %parallel_loop3A_330 : vector<16xf32>
        %parallel_loop3A_332 = arith.index_cast %parallel_loop3A_275 : i32 to index
        %parallel_loop3A_333 = arith.constant 16 : index
        %parallel_loop3A_334 = tpu.vector_load %arg13[%parallel_loop3A_332, %parallel_loop3A_333] {strides = array<i32>} : memref<200x64xf32, #tpu.memory_space<vmem>>, vector<1x16xf32>,
        %parallel_loop3A_335 = vector.shape_cast %parallel_loop3A_334 : vector<1x16xf32> to vector<16xf32>
        %parallel_loop3A_336 = arith.addf %parallel_loop3A_331, %parallel_loop3A_335 : vector<16xf32>
        %parallel_loop3A_337 = arith.index_cast %parallel_loop3A_275 : i32 to index
        %parallel_loop3A_338 = arith.constant 16 : index
        %parallel_loop3A_339 = tpu.vector_load %arg9[%parallel_loop3A_337, %parallel_loop3A_338] {strides = array<i32>} : memref<200x64xf32, #tpu.memory_space<vmem>>, vector<1x16xf32>,
        %parallel_loop3A_340 = vector.shape_cast %parallel_loop3A_339 : vector<1x16xf32> to vector<16xf32>
        %parallel_loop3A_341 = vector.shape_cast %parallel_loop3A_336 : vector<16xf32> to vector<1x16xf32>
        tpu.vector_store %arg9[%parallel_loop3A_337, %parallel_loop3A_338], %parallel_loop3A_341 {strides = array<i32>} : memref<200x64xf32, #tpu.memory_space<vmem>>, vector<1x16xf32>,
        %parallel_loop3A_342 = arith.index_cast %parallel_loop3A_275 : i32 to index
        %parallel_loop3A_343 = arith.constant 32 : index
        %parallel_loop3A_344 = tpu.vector_load %arg9[%parallel_loop3A_342, %parallel_loop3A_343] {strides = array<i32>} : memref<200x64xf32, #tpu.memory_space<vmem>>, vector<1x16xf32>,
        %parallel_loop3A_345 = vector.shape_cast %parallel_loop3A_344 : vector<1x16xf32> to vector<16xf32>
        %parallel_loop3A_346 = arith.mulf %parallel_loop3A_345, %get3A_10 : vector<16xf32>
        %parallel_loop3A_347 = arith.mulf %parallel_loop3A_346, %parallel_loop3A_346 : vector<16xf32>
        %parallel_loop3A_348 = arith.constant -1.98412701E-4 : f32
        %parallel_loop3A_349 = vector.broadcast %parallel_loop3A_348 : f32 to vector<16xf32>
        %parallel_loop3A_350 = arith.mulf %parallel_loop3A_347, %parallel_loop3A_349 : vector<16xf32>
        %parallel_loop3A_351 = arith.constant 0.00833333377 : f32
        %parallel_loop3A_352 = vector.broadcast %parallel_loop3A_351 : f32 to vector<16xf32>
        %parallel_loop3A_353 = arith.addf %parallel_loop3A_350, %parallel_loop3A_352 : vector<16xf32>
        %parallel_loop3A_354 = arith.mulf %parallel_loop3A_353, %parallel_loop3A_347 : vector<16xf32>
        %parallel_loop3A_355 = arith.constant -0.166666672 : f32
        %parallel_loop3A_356 = vector.broadcast %parallel_loop3A_355 : f32 to vector<16xf32>
        %parallel_loop3A_357 = arith.addf %parallel_loop3A_354, %parallel_loop3A_356 : vector<16xf32>
        %parallel_loop3A_358 = arith.mulf %parallel_loop3A_357, %parallel_loop3A_347 : vector<16xf32>
        %parallel_loop3A_359 = arith.constant 1.000000e+00 : f32
        %parallel_loop3A_360 = vector.broadcast %parallel_loop3A_359 : f32 to vector<16xf32>
        %parallel_loop3A_361 = arith.addf %parallel_loop3A_358, %parallel_loop3A_360 : vector<16xf32>
        %parallel_loop3A_362 = arith.mulf %parallel_loop3A_345, %get3A_22 : vector<16xf32>
        %parallel_loop3A_363 = arith.mulf %parallel_loop3A_361, %parallel_loop3A_346 : vector<16xf32>
        %parallel_loop3A_364 = arith.addf %parallel_loop3A_362, %parallel_loop3A_363 : vector<16xf32>
        %parallel_loop3A_365 = arith.index_cast %parallel_loop3A_275 : i32 to index
        %parallel_loop3A_366 = arith.constant 32 : index
        %parallel_loop3A_367 = tpu.vector_load %arg13[%parallel_loop3A_365, %parallel_loop3A_366] {strides = array<i32>} : memref<200x64xf32, #tpu.memory_space<vmem>>, vector<1x16xf32>,
        %parallel_loop3A_368 = vector.shape_cast %parallel_loop3A_367 : vector<1x16xf32> to vector<16xf32>
        %parallel_loop3A_369 = arith.addf %parallel_loop3A_364, %parallel_loop3A_368 : vector<16xf32>
        %parallel_loop3A_370 = arith.index_cast %parallel_loop3A_275 : i32 to index
        %parallel_loop3A_371 = arith.constant 32 : index
        %parallel_loop3A_372 = tpu.vector_load %arg9[%parallel_loop3A_370, %parallel_loop3A_371] {strides = array<i32>} : memref<200x64xf32, #tpu.memory_space<vmem>>, vector<1x16xf32>,
        %parallel_loop3A_373 = vector.shape_cast %parallel_loop3A_372 : vector<1x16xf32> to vector<16xf32>
        %parallel_loop3A_374 = vector.shape_cast %parallel_loop3A_369 : vector<16xf32> to vector<1x16xf32>
        tpu.vector_store %arg9[%parallel_loop3A_370, %parallel_loop3A_371], %parallel_loop3A_374 {strides = array<i32>} : memref<200x64xf32, #tpu.memory_space<vmem>>, vector<1x16xf32>,
        %parallel_loop3A_375 = arith.index_cast %parallel_loop3A_275 : i32 to index
        %parallel_loop3A_376 = arith.constant 48 : index
        %parallel_loop3A_377 = tpu.vector_load %arg9[%parallel_loop3A_375, %parallel_loop3A_376] {strides = array<i32>} : memref<200x64xf32, #tpu.memory_space<vmem>>, vector<1x16xf32>,
        %parallel_loop3A_378 = vector.shape_cast %parallel_loop3A_377 : vector<1x16xf32> to vector<16xf32>
        %parallel_loop3A_379 = arith.mulf %parallel_loop3A_378, %get3A_13 : vector<16xf32>
        %parallel_loop3A_380 = arith.mulf %parallel_loop3A_379, %parallel_loop3A_379 : vector<16xf32>
        %parallel_loop3A_381 = arith.constant -1.98412701E-4 : f32
        %parallel_loop3A_382 = vector.broadcast %parallel_loop3A_381 : f32 to vector<16xf32>
        %parallel_loop3A_383 = arith.mulf %parallel_loop3A_380, %parallel_loop3A_382 : vector<16xf32>
        %parallel_loop3A_384 = arith.constant 0.00833333377 : f32
        %parallel_loop3A_385 = vector.broadcast %parallel_loop3A_384 : f32 to vector<16xf32>
        %parallel_loop3A_386 = arith.addf %parallel_loop3A_383, %parallel_loop3A_385 : vector<16xf32>
        %parallel_loop3A_387 = arith.mulf %parallel_loop3A_386, %parallel_loop3A_380 : vector<16xf32>
        %parallel_loop3A_388 = arith.constant -0.166666672 : f32
        %parallel_loop3A_389 = vector.broadcast %parallel_loop3A_388 : f32 to vector<16xf32>
        %parallel_loop3A_390 = arith.addf %parallel_loop3A_387, %parallel_loop3A_389 : vector<16xf32>
        %parallel_loop3A_391 = arith.mulf %parallel_loop3A_390, %parallel_loop3A_380 : vector<16xf32>
        %parallel_loop3A_392 = arith.constant 1.000000e+00 : f32
        %parallel_loop3A_393 = vector.broadcast %parallel_loop3A_392 : f32 to vector<16xf32>
        %parallel_loop3A_394 = arith.addf %parallel_loop3A_391, %parallel_loop3A_393 : vector<16xf32>
        %parallel_loop3A_395 = arith.mulf %parallel_loop3A_378, %get3A_25 : vector<16xf32>
        %parallel_loop3A_396 = arith.mulf %parallel_loop3A_394, %parallel_loop3A_379 : vector<16xf32>
        %parallel_loop3A_397 = arith.addf %parallel_loop3A_395, %parallel_loop3A_396 : vector<16xf32>
        %parallel_loop3A_398 = arith.index_cast %parallel_loop3A_275 : i32 to index
        %parallel_loop3A_399 = arith.constant 48 : index
        %parallel_loop3A_400 = tpu.vector_load %arg13[%parallel_loop3A_398, %parallel_loop3A_399] {strides = array<i32>} : memref<200x64xf32, #tpu.memory_space<vmem>>, vector<1x16xf32>,
        %parallel_loop3A_401 = vector.shape_cast %parallel_loop3A_400 : vector<1x16xf32> to vector<16xf32>
        %parallel_loop3A_402 = arith.addf %parallel_loop3A_397, %parallel_loop3A_401 : vector<16xf32>
        %parallel_loop3A_403 = arith.index_cast %parallel_loop3A_275 : i32 to index
        %parallel_loop3A_404 = arith.constant 48 : index
        %parallel_loop3A_405 = tpu.vector_load %arg9[%parallel_loop3A_403, %parallel_loop3A_404] {strides = array<i32>} : memref<200x64xf32, #tpu.memory_space<vmem>>, vector<1x16xf32>,
        %parallel_loop3A_406 = vector.shape_cast %parallel_loop3A_405 : vector<1x16xf32> to vector<16xf32>
        %parallel_loop3A_407 = vector.shape_cast %parallel_loop3A_402 : vector<16xf32> to vector<1x16xf32>
        tpu.vector_store %arg9[%parallel_loop3A_403, %parallel_loop3A_404], %parallel_loop3A_407 {strides = array<i32>} : memref<200x64xf32, #tpu.memory_space<vmem>>, vector<1x16xf32>,
      } {sc.loop_unroll_factor = 2 : i64, sc.parallel_access}
      %mul3A_108 = arith.constant 200 : i32
      %mul3A_109 = arith.muli %add3A_87, %mul3A_108 : i32
      %add3A_110 = arith.addi %mul3A_2, %mul3A_109 : i32
      %dma_start3A_111 = arith.constant 0 : i32
      %dma_start3A_112 = tpu.memref_slice %arg7[%add3A_110, %dma_start3A_111] : memref<819200x64xf32, #tpu.memory_space<hbm>> -> memref<200x64xf32, #tpu.memory_space<hbm>>
      %dma_start3A_113 = arith.constant 0 : i32
      %dma_start3A_114 = tpu.memref_slice %arg7[%add3A_110, %dma_start3A_113] : memref<819200x64xf32, #tpu.memory_space<hbm>> -> memref<200x64xf32, #tpu.memory_space<hbm>>
      tpu.enqueue_dma source(%arg9 : memref<200x64xf32, #tpu.memory_space<vmem>>) target(%dma_start3A_114 : memref<200x64xf32, #tpu.memory_space<hbm>>) target_semaphore(%arg20 : memref<!tpu.dma_semaphore, #tpu.memory_space<semaphore_mem>>)
      %gt3A = arith.constant 0 : i32
      %gt3A_115 = arith.cmpi sgt, %scan3A_83, %gt3A : i32
      %convert_element_type3A = arith.extui %gt3A_115 : i1 to i32
      %cond3A = arith.constant 0 : i32
      %cond3A_116 = arith.cmpi ne, %convert_element_type3A, %cond3A : i32
      scf.if %cond3A_116 {
        %sub3A_275 = arith.constant 1 : i32
        %sub3A_276 = arith.subi %add3A_87, %sub3A_275 : i32
        %mul3A_277 = arith.constant 200 : i32
        %mul3A_278 = arith.muli %sub3A_276, %mul3A_277 : i32
        %add3A_279 = arith.addi %mul3A_2, %mul3A_278 : i32
        %dma_wait3A_280 = arith.constant 0 : i32
        %dma_wait3A_281 = tpu.memref_slice %arg7[%add3A_279, %dma_wait3A_280] : memref<819200x64xf32, #tpu.memory_space<hbm>> -> memref<200x64xf32, #tpu.memory_space<hbm>>
        %dma_wait3A_282 = arith.constant 0 : i32
        %dma_wait3A_283 = tpu.memref_slice %arg7[%add3A_279, %dma_wait3A_282] : memref<819200x64xf32, #tpu.memory_space<hbm>> -> memref<200x64xf32, #tpu.memory_space<hbm>>
        tpu.wait_dma2 semaphore(%arg23 : memref<!tpu.dma_semaphore, #tpu.memory_space<semaphore_mem>>) src(%arg12 : memref<200x64xf32, #tpu.memory_space<vmem>>) dst(%dma_wait3A_283 : memref<200x64xf32, #tpu.memory_space<hbm>>)
      } else {
      }
      %add3A_117 = arith.constant 4 : i32
      %add3A_118 = arith.addi %add3A_87, %add3A_117 : i32
      %sub3A = arith.constant 1 : i32
      %sub3A_119 = arith.subi %add3A_118, %sub3A : i32
      %mul3A_120 = arith.constant 200 : i32
      %mul3A_121 = arith.muli %sub3A_119, %mul3A_120 : i32
      %dma_start3A_122 = arith.constant 0 : i32
      %dma_start3A_123 = arith.constant 0 : i32
      %dma_start3A_124 = tpu.memref_slice %arg12[%dma_start3A_122, %dma_start3A_123] : memref<200x64xf32, #tpu.memory_space<vmem>> -> memref<128x64xf32, #tpu.memory_space<vmem>>
      %dma_start3A_125 = tpu.memref_slice %arg8[%mul3A_121] : memref<25600xi32, #tpu.memory_space<vmem>> -> memref<128xi32, #tpu.memory_space<vmem>>
      %dma_start3A_126 = arith.constant 0 : i32
      %dma_start3A_127 = arith.constant 0 : i32
      %dma_start3A_128 = tpu.memref_slice %arg3[%dma_start3A_126, %dma_start3A_127] : memref<1000000x64xf32, #tpu.memory_space<hbm>> -> memref<1000000x64xf32, #tpu.memory_space<hbm>>
      tpu.enqueue_indirect_dma source(%dma_start3A_128 : memref<1000000x64xf32, #tpu.memory_space<hbm>>) target(%dma_start3A_124 : memref<128x64xf32, #tpu.memory_space<vmem>>) offsets(%dma_start3A_125 : memref<128xi32, #tpu.memory_space<vmem>>) semaphore(%arg19 : memref<!tpu.dma_semaphore, #tpu.memory_space<semaphore_mem>>)
      %add3A_129 = arith.constant 128 : i32
      %add3A_130 = arith.addi %mul3A_121, %add3A_129 : i32
      %dma_start3A_131 = arith.constant 128 : i32
      %dma_start3A_132 = arith.constant 0 : i32
      %dma_start3A_133 = tpu.memref_slice %arg12[%dma_start3A_131, %dma_start3A_132] : memref<200x64xf32, #tpu.memory_space<vmem>> -> memref<72x64xf32, #tpu.memory_space<vmem>>
      %dma_start3A_134 = tpu.memref_slice %arg8[%add3A_130] : memref<25600xi32, #tpu.memory_space<vmem>> -> memref<72xi32, #tpu.memory_space<vmem>>
      %dma_start3A_135 = arith.constant 0 : i32
      %dma_start3A_136 = arith.constant 0 : i32
      %dma_start3A_137 = tpu.memref_slice %arg3[%dma_start3A_135, %dma_start3A_136] : memref<1000000x64xf32, #tpu.memory_space<hbm>> -> memref<1000000x64xf32, #tpu.memory_space<hbm>>
      tpu.enqueue_indirect_dma source(%dma_start3A_137 : memref<1000000x64xf32, #tpu.memory_space<hbm>>) target(%dma_start3A_133 : memref<72x64xf32, #tpu.memory_space<vmem>>) offsets(%dma_start3A_134 : memref<72xi32, #tpu.memory_space<vmem>>) semaphore(%arg19 : memref<!tpu.dma_semaphore, #tpu.memory_space<semaphore_mem>>)
      %mul3A_138 = arith.constant 4 : i32
      %mul3A_139 = arith.muli %mul3A_138, %scan3A_83 : i32
      %add3A_140 = arith.constant 1 : i32
      %add3A_141 = arith.addi %mul3A_139, %add3A_140 : i32
      %mul3A_142 = arith.constant 200 : i32
      %mul3A_143 = arith.muli %add3A_141, %mul3A_142 : i32
      %dma_wait3A_144 = arith.constant 0 : i32
      %dma_wait3A_145 = arith.constant 0 : i32
      %dma_wait3A_146 = tpu.memref_slice %arg10[%dma_wait3A_144, %dma_wait3A_145] : memref<200x64xf32, #tpu.memory_space<vmem>> -> memref<128x64xf32, #tpu.memory_space<vmem>>
      %dma_wait3A_147 = tpu.memref_slice %arg8[%mul3A_143] : memref<25600xi32, #tpu.memory_space<vmem>> -> memref<128xi32, #tpu.memory_space<vmem>>
      %dma_wait3A_148 = arith.constant 0 : i32
      %dma_wait3A_149 = arith.constant 0 : i32
      %dma_wait3A_150 = tpu.memref_slice %arg3[%dma_wait3A_148, %dma_wait3A_149] : memref<1000000x64xf32, #tpu.memory_space<hbm>> -> memref<1000000x64xf32, #tpu.memory_space<hbm>>
      tpu.wait_indirect_dma semaphore(%arg17 : memref<!tpu.dma_semaphore, #tpu.memory_space<semaphore_mem>>) src(%dma_wait3A_150 : memref<1000000x64xf32, #tpu.memory_space<hbm>>) dst(%dma_wait3A_146 : memref<128x64xf32, #tpu.memory_space<vmem>>)
      %add3A_151 = arith.constant 128 : i32
      %add3A_152 = arith.addi %mul3A_143, %add3A_151 : i32
      %dma_wait3A_153 = arith.constant 128 : i32
      %dma_wait3A_154 = arith.constant 0 : i32
      %dma_wait3A_155 = tpu.memref_slice %arg10[%dma_wait3A_153, %dma_wait3A_154] : memref<200x64xf32, #tpu.memory_space<vmem>> -> memref<72x64xf32, #tpu.memory_space<vmem>>
      %dma_wait3A_156 = tpu.memref_slice %arg8[%add3A_152] : memref<25600xi32, #tpu.memory_space<vmem>> -> memref<72xi32, #tpu.memory_space<vmem>>
      %dma_wait3A_157 = arith.constant 0 : i32
      %dma_wait3A_158 = arith.constant 0 : i32
      %dma_wait3A_159 = tpu.memref_slice %arg3[%dma_wait3A_157, %dma_wait3A_158] : memref<1000000x64xf32, #tpu.memory_space<hbm>> -> memref<1000000x64xf32, #tpu.memory_space<hbm>>
      tpu.wait_indirect_dma semaphore(%arg17 : memref<!tpu.dma_semaphore, #tpu.memory_space<semaphore_mem>>) src(%dma_wait3A_159 : memref<1000000x64xf32, #tpu.memory_space<hbm>>) dst(%dma_wait3A_155 : memref<72x64xf32, #tpu.memory_space<vmem>>)
      %parallel_loop3A_160 = arith.constant 0 : i32
      %parallel_loop3A_161 = arith.constant 200 : i32
      %parallel_loop3A_162 = arith.constant 1 : i32
      scf.for %parallel_loop3A_275 = %parallel_loop3A_160 to %parallel_loop3A_161 step %parallel_loop3A_162  : i32 {
        %parallel_loop3A_276 = arith.index_cast %parallel_loop3A_275 : i32 to index
        %parallel_loop3A_277 = arith.constant 0 : index
        %parallel_loop3A_278 = tpu.vector_load %arg10[%parallel_loop3A_276, %parallel_loop3A_277] {strides = array<i32>} : memref<200x64xf32, #tpu.memory_space<vmem>>, vector<1x16xf32>,
        %parallel_loop3A_279 = vector.shape_cast %parallel_loop3A_278 : vector<1x16xf32> to vector<16xf32>
        %parallel_loop3A_280 = arith.mulf %parallel_loop3A_279, %get3A_4 : vector<16xf32>
        %parallel_loop3A_281 = arith.mulf %parallel_loop3A_280, %parallel_loop3A_280 : vector<16xf32>
        %parallel_loop3A_282 = arith.constant -1.98412701E-4 : f32
        %parallel_loop3A_283 = vector.broadcast %parallel_loop3A_282 : f32 to vector<16xf32>
        %parallel_loop3A_284 = arith.mulf %parallel_loop3A_281, %parallel_loop3A_283 : vector<16xf32>
        %parallel_loop3A_285 = arith.constant 0.00833333377 : f32
        %parallel_loop3A_286 = vector.broadcast %parallel_loop3A_285 : f32 to vector<16xf32>
        %parallel_loop3A_287 = arith.addf %parallel_loop3A_284, %parallel_loop3A_286 : vector<16xf32>
        %parallel_loop3A_288 = arith.mulf %parallel_loop3A_287, %parallel_loop3A_281 : vector<16xf32>
        %parallel_loop3A_289 = arith.constant -0.166666672 : f32
        %parallel_loop3A_290 = vector.broadcast %parallel_loop3A_289 : f32 to vector<16xf32>
        %parallel_loop3A_291 = arith.addf %parallel_loop3A_288, %parallel_loop3A_290 : vector<16xf32>
        %parallel_loop3A_292 = arith.mulf %parallel_loop3A_291, %parallel_loop3A_281 : vector<16xf32>
        %parallel_loop3A_293 = arith.constant 1.000000e+00 : f32
        %parallel_loop3A_294 = vector.broadcast %parallel_loop3A_293 : f32 to vector<16xf32>
        %parallel_loop3A_295 = arith.addf %parallel_loop3A_292, %parallel_loop3A_294 : vector<16xf32>
        %parallel_loop3A_296 = arith.mulf %parallel_loop3A_279, %get3A_16 : vector<16xf32>
        %parallel_loop3A_297 = arith.mulf %parallel_loop3A_295, %parallel_loop3A_280 : vector<16xf32>
        %parallel_loop3A_298 = arith.addf %parallel_loop3A_296, %parallel_loop3A_297 : vector<16xf32>
        %parallel_loop3A_299 = arith.index_cast %parallel_loop3A_275 : i32 to index
        %parallel_loop3A_300 = arith.constant 0 : index
        %parallel_loop3A_301 = tpu.vector_load %arg13[%parallel_loop3A_299, %parallel_loop3A_300] {strides = array<i32>} : memref<200x64xf32, #tpu.memory_space<vmem>>, vector<1x16xf32>,
        %parallel_loop3A_302 = vector.shape_cast %parallel_loop3A_301 : vector<1x16xf32> to vector<16xf32>
        %parallel_loop3A_303 = arith.addf %parallel_loop3A_298, %parallel_loop3A_302 : vector<16xf32>
        %parallel_loop3A_304 = arith.index_cast %parallel_loop3A_275 : i32 to index
        %parallel_loop3A_305 = arith.constant 0 : index
        %parallel_loop3A_306 = tpu.vector_load %arg10[%parallel_loop3A_304, %parallel_loop3A_305] {strides = array<i32>} : memref<200x64xf32, #tpu.memory_space<vmem>>, vector<1x16xf32>,
        %parallel_loop3A_307 = vector.shape_cast %parallel_loop3A_306 : vector<1x16xf32> to vector<16xf32>
        %parallel_loop3A_308 = vector.shape_cast %parallel_loop3A_303 : vector<16xf32> to vector<1x16xf32>
        tpu.vector_store %arg10[%parallel_loop3A_304, %parallel_loop3A_305], %parallel_loop3A_308 {strides = array<i32>} : memref<200x64xf32, #tpu.memory_space<vmem>>, vector<1x16xf32>,
        %parallel_loop3A_309 = arith.index_cast %parallel_loop3A_275 : i32 to index
        %parallel_loop3A_310 = arith.constant 16 : index
        %parallel_loop3A_311 = tpu.vector_load %arg10[%parallel_loop3A_309, %parallel_loop3A_310] {strides = array<i32>} : memref<200x64xf32, #tpu.memory_space<vmem>>, vector<1x16xf32>,
        %parallel_loop3A_312 = vector.shape_cast %parallel_loop3A_311 : vector<1x16xf32> to vector<16xf32>
        %parallel_loop3A_313 = arith.mulf %parallel_loop3A_312, %get3A_7 : vector<16xf32>
        %parallel_loop3A_314 = arith.mulf %parallel_loop3A_313, %parallel_loop3A_313 : vector<16xf32>
        %parallel_loop3A_315 = arith.constant -1.98412701E-4 : f32
        %parallel_loop3A_316 = vector.broadcast %parallel_loop3A_315 : f32 to vector<16xf32>
        %parallel_loop3A_317 = arith.mulf %parallel_loop3A_314, %parallel_loop3A_316 : vector<16xf32>
        %parallel_loop3A_318 = arith.constant 0.00833333377 : f32
        %parallel_loop3A_319 = vector.broadcast %parallel_loop3A_318 : f32 to vector<16xf32>
        %parallel_loop3A_320 = arith.addf %parallel_loop3A_317, %parallel_loop3A_319 : vector<16xf32>
        %parallel_loop3A_321 = arith.mulf %parallel_loop3A_320, %parallel_loop3A_314 : vector<16xf32>
        %parallel_loop3A_322 = arith.constant -0.166666672 : f32
        %parallel_loop3A_323 = vector.broadcast %parallel_loop3A_322 : f32 to vector<16xf32>
        %parallel_loop3A_324 = arith.addf %parallel_loop3A_321, %parallel_loop3A_323 : vector<16xf32>
        %parallel_loop3A_325 = arith.mulf %parallel_loop3A_324, %parallel_loop3A_314 : vector<16xf32>
        %parallel_loop3A_326 = arith.constant 1.000000e+00 : f32
        %parallel_loop3A_327 = vector.broadcast %parallel_loop3A_326 : f32 to vector<16xf32>
        %parallel_loop3A_328 = arith.addf %parallel_loop3A_325, %parallel_loop3A_327 : vector<16xf32>
        %parallel_loop3A_329 = arith.mulf %parallel_loop3A_312, %get3A_19 : vector<16xf32>
        %parallel_loop3A_330 = arith.mulf %parallel_loop3A_328, %parallel_loop3A_313 : vector<16xf32>
        %parallel_loop3A_331 = arith.addf %parallel_loop3A_329, %parallel_loop3A_330 : vector<16xf32>
        %parallel_loop3A_332 = arith.index_cast %parallel_loop3A_275 : i32 to index
        %parallel_loop3A_333 = arith.constant 16 : index
        %parallel_loop3A_334 = tpu.vector_load %arg13[%parallel_loop3A_332, %parallel_loop3A_333] {strides = array<i32>} : memref<200x64xf32, #tpu.memory_space<vmem>>, vector<1x16xf32>,
        %parallel_loop3A_335 = vector.shape_cast %parallel_loop3A_334 : vector<1x16xf32> to vector<16xf32>
        %parallel_loop3A_336 = arith.addf %parallel_loop3A_331, %parallel_loop3A_335 : vector<16xf32>
        %parallel_loop3A_337 = arith.index_cast %parallel_loop3A_275 : i32 to index
        %parallel_loop3A_338 = arith.constant 16 : index
        %parallel_loop3A_339 = tpu.vector_load %arg10[%parallel_loop3A_337, %parallel_loop3A_338] {strides = array<i32>} : memref<200x64xf32, #tpu.memory_space<vmem>>, vector<1x16xf32>,
        %parallel_loop3A_340 = vector.shape_cast %parallel_loop3A_339 : vector<1x16xf32> to vector<16xf32>
        %parallel_loop3A_341 = vector.shape_cast %parallel_loop3A_336 : vector<16xf32> to vector<1x16xf32>
        tpu.vector_store %arg10[%parallel_loop3A_337, %parallel_loop3A_338], %parallel_loop3A_341 {strides = array<i32>} : memref<200x64xf32, #tpu.memory_space<vmem>>, vector<1x16xf32>,
        %parallel_loop3A_342 = arith.index_cast %parallel_loop3A_275 : i32 to index
        %parallel_loop3A_343 = arith.constant 32 : index
        %parallel_loop3A_344 = tpu.vector_load %arg10[%parallel_loop3A_342, %parallel_loop3A_343] {strides = array<i32>} : memref<200x64xf32, #tpu.memory_space<vmem>>, vector<1x16xf32>,
        %parallel_loop3A_345 = vector.shape_cast %parallel_loop3A_344 : vector<1x16xf32> to vector<16xf32>
        %parallel_loop3A_346 = arith.mulf %parallel_loop3A_345, %get3A_10 : vector<16xf32>
        %parallel_loop3A_347 = arith.mulf %parallel_loop3A_346, %parallel_loop3A_346 : vector<16xf32>
        %parallel_loop3A_348 = arith.constant -1.98412701E-4 : f32
        %parallel_loop3A_349 = vector.broadcast %parallel_loop3A_348 : f32 to vector<16xf32>
        %parallel_loop3A_350 = arith.mulf %parallel_loop3A_347, %parallel_loop3A_349 : vector<16xf32>
        %parallel_loop3A_351 = arith.constant 0.00833333377 : f32
        %parallel_loop3A_352 = vector.broadcast %parallel_loop3A_351 : f32 to vector<16xf32>
        %parallel_loop3A_353 = arith.addf %parallel_loop3A_350, %parallel_loop3A_352 : vector<16xf32>
        %parallel_loop3A_354 = arith.mulf %parallel_loop3A_353, %parallel_loop3A_347 : vector<16xf32>
        %parallel_loop3A_355 = arith.constant -0.166666672 : f32
        %parallel_loop3A_356 = vector.broadcast %parallel_loop3A_355 : f32 to vector<16xf32>
        %parallel_loop3A_357 = arith.addf %parallel_loop3A_354, %parallel_loop3A_356 : vector<16xf32>
        %parallel_loop3A_358 = arith.mulf %parallel_loop3A_357, %parallel_loop3A_347 : vector<16xf32>
        %parallel_loop3A_359 = arith.constant 1.000000e+00 : f32
        %parallel_loop3A_360 = vector.broadcast %parallel_loop3A_359 : f32 to vector<16xf32>
        %parallel_loop3A_361 = arith.addf %parallel_loop3A_358, %parallel_loop3A_360 : vector<16xf32>
        %parallel_loop3A_362 = arith.mulf %parallel_loop3A_345, %get3A_22 : vector<16xf32>
        %parallel_loop3A_363 = arith.mulf %parallel_loop3A_361, %parallel_loop3A_346 : vector<16xf32>
        %parallel_loop3A_364 = arith.addf %parallel_loop3A_362, %parallel_loop3A_363 : vector<16xf32>
        %parallel_loop3A_365 = arith.index_cast %parallel_loop3A_275 : i32 to index
        %parallel_loop3A_366 = arith.constant 32 : index
        %parallel_loop3A_367 = tpu.vector_load %arg13[%parallel_loop3A_365, %parallel_loop3A_366] {strides = array<i32>} : memref<200x64xf32, #tpu.memory_space<vmem>>, vector<1x16xf32>,
        %parallel_loop3A_368 = vector.shape_cast %parallel_loop3A_367 : vector<1x16xf32> to vector<16xf32>
        %parallel_loop3A_369 = arith.addf %parallel_loop3A_364, %parallel_loop3A_368 : vector<16xf32>
        %parallel_loop3A_370 = arith.index_cast %parallel_loop3A_275 : i32 to index
        %parallel_loop3A_371 = arith.constant 32 : index
        %parallel_loop3A_372 = tpu.vector_load %arg10[%parallel_loop3A_370, %parallel_loop3A_371] {strides = array<i32>} : memref<200x64xf32, #tpu.memory_space<vmem>>, vector<1x16xf32>,
        %parallel_loop3A_373 = vector.shape_cast %parallel_loop3A_372 : vector<1x16xf32> to vector<16xf32>
        %parallel_loop3A_374 = vector.shape_cast %parallel_loop3A_369 : vector<16xf32> to vector<1x16xf32>
        tpu.vector_store %arg10[%parallel_loop3A_370, %parallel_loop3A_371], %parallel_loop3A_374 {strides = array<i32>} : memref<200x64xf32, #tpu.memory_space<vmem>>, vector<1x16xf32>,
        %parallel_loop3A_375 = arith.index_cast %parallel_loop3A_275 : i32 to index
        %parallel_loop3A_376 = arith.constant 48 : index
        %parallel_loop3A_377 = tpu.vector_load %arg10[%parallel_loop3A_375, %parallel_loop3A_376] {strides = array<i32>} : memref<200x64xf32, #tpu.memory_space<vmem>>, vector<1x16xf32>,
        %parallel_loop3A_378 = vector.shape_cast %parallel_loop3A_377 : vector<1x16xf32> to vector<16xf32>
        %parallel_loop3A_379 = arith.mulf %parallel_loop3A_378, %get3A_13 : vector<16xf32>
        %parallel_loop3A_380 = arith.mulf %parallel_loop3A_379, %parallel_loop3A_379 : vector<16xf32>
        %parallel_loop3A_381 = arith.constant -1.98412701E-4 : f32
        %parallel_loop3A_382 = vector.broadcast %parallel_loop3A_381 : f32 to vector<16xf32>
        %parallel_loop3A_383 = arith.mulf %parallel_loop3A_380, %parallel_loop3A_382 : vector<16xf32>
        %parallel_loop3A_384 = arith.constant 0.00833333377 : f32
        %parallel_loop3A_385 = vector.broadcast %parallel_loop3A_384 : f32 to vector<16xf32>
        %parallel_loop3A_386 = arith.addf %parallel_loop3A_383, %parallel_loop3A_385 : vector<16xf32>
        %parallel_loop3A_387 = arith.mulf %parallel_loop3A_386, %parallel_loop3A_380 : vector<16xf32>
        %parallel_loop3A_388 = arith.constant -0.166666672 : f32
        %parallel_loop3A_389 = vector.broadcast %parallel_loop3A_388 : f32 to vector<16xf32>
        %parallel_loop3A_390 = arith.addf %parallel_loop3A_387, %parallel_loop3A_389 : vector<16xf32>
        %parallel_loop3A_391 = arith.mulf %parallel_loop3A_390, %parallel_loop3A_380 : vector<16xf32>
        %parallel_loop3A_392 = arith.constant 1.000000e+00 : f32
        %parallel_loop3A_393 = vector.broadcast %parallel_loop3A_392 : f32 to vector<16xf32>
        %parallel_loop3A_394 = arith.addf %parallel_loop3A_391, %parallel_loop3A_393 : vector<16xf32>
        %parallel_loop3A_395 = arith.mulf %parallel_loop3A_378, %get3A_25 : vector<16xf32>
        %parallel_loop3A_396 = arith.mulf %parallel_loop3A_394, %parallel_loop3A_379 : vector<16xf32>
        %parallel_loop3A_397 = arith.addf %parallel_loop3A_395, %parallel_loop3A_396 : vector<16xf32>
        %parallel_loop3A_398 = arith.index_cast %parallel_loop3A_275 : i32 to index
        %parallel_loop3A_399 = arith.constant 48 : index
        %parallel_loop3A_400 = tpu.vector_load %arg13[%parallel_loop3A_398, %parallel_loop3A_399] {strides = array<i32>} : memref<200x64xf32, #tpu.memory_space<vmem>>, vector<1x16xf32>,
        %parallel_loop3A_401 = vector.shape_cast %parallel_loop3A_400 : vector<1x16xf32> to vector<16xf32>
        %parallel_loop3A_402 = arith.addf %parallel_loop3A_397, %parallel_loop3A_401 : vector<16xf32>
        %parallel_loop3A_403 = arith.index_cast %parallel_loop3A_275 : i32 to index
        %parallel_loop3A_404 = arith.constant 48 : index
        %parallel_loop3A_405 = tpu.vector_load %arg10[%parallel_loop3A_403, %parallel_loop3A_404] {strides = array<i32>} : memref<200x64xf32, #tpu.memory_space<vmem>>, vector<1x16xf32>,
        %parallel_loop3A_406 = vector.shape_cast %parallel_loop3A_405 : vector<1x16xf32> to vector<16xf32>
        %parallel_loop3A_407 = vector.shape_cast %parallel_loop3A_402 : vector<16xf32> to vector<1x16xf32>
        tpu.vector_store %arg10[%parallel_loop3A_403, %parallel_loop3A_404], %parallel_loop3A_407 {strides = array<i32>} : memref<200x64xf32, #tpu.memory_space<vmem>>, vector<1x16xf32>,
      } {sc.loop_unroll_factor = 2 : i64, sc.parallel_access}
      %mul3A_163 = arith.constant 200 : i32
      %mul3A_164 = arith.muli %add3A_141, %mul3A_163 : i32
      %add3A_165 = arith.addi %mul3A_2, %mul3A_164 : i32
      %dma_start3A_166 = arith.constant 0 : i32
      %dma_start3A_167 = tpu.memref_slice %arg7[%add3A_165, %dma_start3A_166] : memref<819200x64xf32, #tpu.memory_space<hbm>> -> memref<200x64xf32, #tpu.memory_space<hbm>>
      %dma_start3A_168 = arith.constant 0 : i32
      %dma_start3A_169 = tpu.memref_slice %arg7[%add3A_165, %dma_start3A_168] : memref<819200x64xf32, #tpu.memory_space<hbm>> -> memref<200x64xf32, #tpu.memory_space<hbm>>
      tpu.enqueue_dma source(%arg10 : memref<200x64xf32, #tpu.memory_space<vmem>>) target(%dma_start3A_169 : memref<200x64xf32, #tpu.memory_space<hbm>>) target_semaphore(%arg21 : memref<!tpu.dma_semaphore, #tpu.memory_space<semaphore_mem>>)
      %sub3A_170 = arith.constant 1 : i32
      %sub3A_171 = arith.subi %add3A_141, %sub3A_170 : i32
      %mul3A_172 = arith.constant 200 : i32
      %mul3A_173 = arith.muli %sub3A_171, %mul3A_172 : i32
      %add3A_174 = arith.addi %mul3A_2, %mul3A_173 : i32
      %dma_wait3A_175 = arith.constant 0 : i32
      %dma_wait3A_176 = tpu.memref_slice %arg7[%add3A_174, %dma_wait3A_175] : memref<819200x64xf32, #tpu.memory_space<hbm>> -> memref<200x64xf32, #tpu.memory_space<hbm>>
      %dma_wait3A_177 = arith.constant 0 : i32
      %dma_wait3A_178 = tpu.memref_slice %arg7[%add3A_174, %dma_wait3A_177] : memref<819200x64xf32, #tpu.memory_space<hbm>> -> memref<200x64xf32, #tpu.memory_space<hbm>>
      tpu.wait_dma2 semaphore(%arg20 : memref<!tpu.dma_semaphore, #tpu.memory_space<semaphore_mem>>) src(%arg9 : memref<200x64xf32, #tpu.memory_space<vmem>>) dst(%dma_wait3A_178 : memref<200x64xf32, #tpu.memory_space<hbm>>)
      %lt3A = arith.constant 31 : i32
      %lt3A_179 = arith.cmpi slt, %scan3A_83, %lt3A : i32
      %convert_element_type3A_180 = arith.extui %lt3A_179 : i1 to i32
      %cond3A_181 = arith.constant 0 : i32
      %cond3A_182 = arith.cmpi ne, %convert_element_type3A_180, %cond3A_181 : i32
      scf.if %cond3A_182 {
        %add3A_275 = arith.constant 4 : i32
        %add3A_276 = arith.addi %add3A_141, %add3A_275 : i32
        %sub3A_277 = arith.constant 1 : i32
        %sub3A_278 = arith.subi %add3A_276, %sub3A_277 : i32
        %mul3A_279 = arith.constant 200 : i32
        %mul3A_280 = arith.muli %sub3A_278, %mul3A_279 : i32
        %dma_start3A_281 = arith.constant 0 : i32
        %dma_start3A_282 = arith.constant 0 : i32
        %dma_start3A_283 = tpu.memref_slice %arg9[%dma_start3A_281, %dma_start3A_282] : memref<200x64xf32, #tpu.memory_space<vmem>> -> memref<128x64xf32, #tpu.memory_space<vmem>>
        %dma_start3A_284 = tpu.memref_slice %arg8[%mul3A_280] : memref<25600xi32, #tpu.memory_space<vmem>> -> memref<128xi32, #tpu.memory_space<vmem>>
        %dma_start3A_285 = arith.constant 0 : i32
        %dma_start3A_286 = arith.constant 0 : i32
        %dma_start3A_287 = tpu.memref_slice %arg3[%dma_start3A_285, %dma_start3A_286] : memref<1000000x64xf32, #tpu.memory_space<hbm>> -> memref<1000000x64xf32, #tpu.memory_space<hbm>>
        tpu.enqueue_indirect_dma source(%dma_start3A_287 : memref<1000000x64xf32, #tpu.memory_space<hbm>>) target(%dma_start3A_283 : memref<128x64xf32, #tpu.memory_space<vmem>>) offsets(%dma_start3A_284 : memref<128xi32, #tpu.memory_space<vmem>>) semaphore(%arg16 : memref<!tpu.dma_semaphore, #tpu.memory_space<semaphore_mem>>)
        %add3A_288 = arith.constant 128 : i32
        %add3A_289 = arith.addi %mul3A_280, %add3A_288 : i32
        %dma_start3A_290 = arith.constant 128 : i32
        %dma_start3A_291 = arith.constant 0 : i32
        %dma_start3A_292 = tpu.memref_slice %arg9[%dma_start3A_290, %dma_start3A_291] : memref<200x64xf32, #tpu.memory_space<vmem>> -> memref<72x64xf32, #tpu.memory_space<vmem>>
        %dma_start3A_293 = tpu.memref_slice %arg8[%add3A_289] : memref<25600xi32, #tpu.memory_space<vmem>> -> memref<72xi32, #tpu.memory_space<vmem>>
        %dma_start3A_294 = arith.constant 0 : i32
        %dma_start3A_295 = arith.constant 0 : i32
        %dma_start3A_296 = tpu.memref_slice %arg3[%dma_start3A_294, %dma_start3A_295] : memref<1000000x64xf32, #tpu.memory_space<hbm>> -> memref<1000000x64xf32, #tpu.memory_space<hbm>>
        tpu.enqueue_indirect_dma source(%dma_start3A_296 : memref<1000000x64xf32, #tpu.memory_space<hbm>>) target(%dma_start3A_292 : memref<72x64xf32, #tpu.memory_space<vmem>>) offsets(%dma_start3A_293 : memref<72xi32, #tpu.memory_space<vmem>>) semaphore(%arg16 : memref<!tpu.dma_semaphore, #tpu.memory_space<semaphore_mem>>)
      } else {
      }
      %mul3A_183 = arith.constant 4 : i32
      %mul3A_184 = arith.muli %mul3A_183, %scan3A_83 : i32
      %add3A_185 = arith.constant 2 : i32
      %add3A_186 = arith.addi %mul3A_184, %add3A_185 : i32
      %mul3A_187 = arith.constant 200 : i32
      %mul3A_188 = arith.muli %add3A_186, %mul3A_187 : i32
      %dma_wait3A_189 = arith.constant 0 : i32
      %dma_wait3A_190 = arith.constant 0 : i32
      %dma_wait3A_191 = tpu.memref_slice %arg11[%dma_wait3A_189, %dma_wait3A_190] : memref<200x64xf32, #tpu.memory_space<vmem>> -> memref<128x64xf32, #tpu.memory_space<vmem>>
      %dma_wait3A_192 = tpu.memref_slice %arg8[%mul3A_188] : memref<25600xi32, #tpu.memory_space<vmem>> -> memref<128xi32, #tpu.memory_space<vmem>>
      %dma_wait3A_193 = arith.constant 0 : i32
      %dma_wait3A_194 = arith.constant 0 : i32
      %dma_wait3A_195 = tpu.memref_slice %arg3[%dma_wait3A_193, %dma_wait3A_194] : memref<1000000x64xf32, #tpu.memory_space<hbm>> -> memref<1000000x64xf32, #tpu.memory_space<hbm>>
      tpu.wait_indirect_dma semaphore(%arg18 : memref<!tpu.dma_semaphore, #tpu.memory_space<semaphore_mem>>) src(%dma_wait3A_195 : memref<1000000x64xf32, #tpu.memory_space<hbm>>) dst(%dma_wait3A_191 : memref<128x64xf32, #tpu.memory_space<vmem>>)
      %add3A_196 = arith.constant 128 : i32
      %add3A_197 = arith.addi %mul3A_188, %add3A_196 : i32
      %dma_wait3A_198 = arith.constant 128 : i32
      %dma_wait3A_199 = arith.constant 0 : i32
      %dma_wait3A_200 = tpu.memref_slice %arg11[%dma_wait3A_198, %dma_wait3A_199] : memref<200x64xf32, #tpu.memory_space<vmem>> -> memref<72x64xf32, #tpu.memory_space<vmem>>
      %dma_wait3A_201 = tpu.memref_slice %arg8[%add3A_197] : memref<25600xi32, #tpu.memory_space<vmem>> -> memref<72xi32, #tpu.memory_space<vmem>>
      %dma_wait3A_202 = arith.constant 0 : i32
      %dma_wait3A_203 = arith.constant 0 : i32
      %dma_wait3A_204 = tpu.memref_slice %arg3[%dma_wait3A_202, %dma_wait3A_203] : memref<1000000x64xf32, #tpu.memory_space<hbm>> -> memref<1000000x64xf32, #tpu.memory_space<hbm>>
      tpu.wait_indirect_dma semaphore(%arg18 : memref<!tpu.dma_semaphore, #tpu.memory_space<semaphore_mem>>) src(%dma_wait3A_204 : memref<1000000x64xf32, #tpu.memory_space<hbm>>) dst(%dma_wait3A_200 : memref<72x64xf32, #tpu.memory_space<vmem>>)
      %parallel_loop3A_205 = arith.constant 0 : i32
      %parallel_loop3A_206 = arith.constant 200 : i32
      %parallel_loop3A_207 = arith.constant 1 : i32
      scf.for %parallel_loop3A_275 = %parallel_loop3A_205 to %parallel_loop3A_206 step %parallel_loop3A_207  : i32 {
        %parallel_loop3A_276 = arith.index_cast %parallel_loop3A_275 : i32 to index
        %parallel_loop3A_277 = arith.constant 0 : index
        %parallel_loop3A_278 = tpu.vector_load %arg11[%parallel_loop3A_276, %parallel_loop3A_277] {strides = array<i32>} : memref<200x64xf32, #tpu.memory_space<vmem>>, vector<1x16xf32>,
        %parallel_loop3A_279 = vector.shape_cast %parallel_loop3A_278 : vector<1x16xf32> to vector<16xf32>
        %parallel_loop3A_280 = arith.mulf %parallel_loop3A_279, %get3A_4 : vector<16xf32>
        %parallel_loop3A_281 = arith.mulf %parallel_loop3A_280, %parallel_loop3A_280 : vector<16xf32>
        %parallel_loop3A_282 = arith.constant -1.98412701E-4 : f32
        %parallel_loop3A_283 = vector.broadcast %parallel_loop3A_282 : f32 to vector<16xf32>
        %parallel_loop3A_284 = arith.mulf %parallel_loop3A_281, %parallel_loop3A_283 : vector<16xf32>
        %parallel_loop3A_285 = arith.constant 0.00833333377 : f32
        %parallel_loop3A_286 = vector.broadcast %parallel_loop3A_285 : f32 to vector<16xf32>
        %parallel_loop3A_287 = arith.addf %parallel_loop3A_284, %parallel_loop3A_286 : vector<16xf32>
        %parallel_loop3A_288 = arith.mulf %parallel_loop3A_287, %parallel_loop3A_281 : vector<16xf32>
        %parallel_loop3A_289 = arith.constant -0.166666672 : f32
        %parallel_loop3A_290 = vector.broadcast %parallel_loop3A_289 : f32 to vector<16xf32>
        %parallel_loop3A_291 = arith.addf %parallel_loop3A_288, %parallel_loop3A_290 : vector<16xf32>
        %parallel_loop3A_292 = arith.mulf %parallel_loop3A_291, %parallel_loop3A_281 : vector<16xf32>
        %parallel_loop3A_293 = arith.constant 1.000000e+00 : f32
        %parallel_loop3A_294 = vector.broadcast %parallel_loop3A_293 : f32 to vector<16xf32>
        %parallel_loop3A_295 = arith.addf %parallel_loop3A_292, %parallel_loop3A_294 : vector<16xf32>
        %parallel_loop3A_296 = arith.mulf %parallel_loop3A_279, %get3A_16 : vector<16xf32>
        %parallel_loop3A_297 = arith.mulf %parallel_loop3A_295, %parallel_loop3A_280 : vector<16xf32>
        %parallel_loop3A_298 = arith.addf %parallel_loop3A_296, %parallel_loop3A_297 : vector<16xf32>
        %parallel_loop3A_299 = arith.index_cast %parallel_loop3A_275 : i32 to index
        %parallel_loop3A_300 = arith.constant 0 : index
        %parallel_loop3A_301 = tpu.vector_load %arg13[%parallel_loop3A_299, %parallel_loop3A_300] {strides = array<i32>} : memref<200x64xf32, #tpu.memory_space<vmem>>, vector<1x16xf32>,
        %parallel_loop3A_302 = vector.shape_cast %parallel_loop3A_301 : vector<1x16xf32> to vector<16xf32>
        %parallel_loop3A_303 = arith.addf %parallel_loop3A_298, %parallel_loop3A_302 : vector<16xf32>
        %parallel_loop3A_304 = arith.index_cast %parallel_loop3A_275 : i32 to index
        %parallel_loop3A_305 = arith.constant 0 : index
        %parallel_loop3A_306 = tpu.vector_load %arg11[%parallel_loop3A_304, %parallel_loop3A_305] {strides = array<i32>} : memref<200x64xf32, #tpu.memory_space<vmem>>, vector<1x16xf32>,
        %parallel_loop3A_307 = vector.shape_cast %parallel_loop3A_306 : vector<1x16xf32> to vector<16xf32>
        %parallel_loop3A_308 = vector.shape_cast %parallel_loop3A_303 : vector<16xf32> to vector<1x16xf32>
        tpu.vector_store %arg11[%parallel_loop3A_304, %parallel_loop3A_305], %parallel_loop3A_308 {strides = array<i32>} : memref<200x64xf32, #tpu.memory_space<vmem>>, vector<1x16xf32>,
        %parallel_loop3A_309 = arith.index_cast %parallel_loop3A_275 : i32 to index
        %parallel_loop3A_310 = arith.constant 16 : index
        %parallel_loop3A_311 = tpu.vector_load %arg11[%parallel_loop3A_309, %parallel_loop3A_310] {strides = array<i32>} : memref<200x64xf32, #tpu.memory_space<vmem>>, vector<1x16xf32>,
        %parallel_loop3A_312 = vector.shape_cast %parallel_loop3A_311 : vector<1x16xf32> to vector<16xf32>
        %parallel_loop3A_313 = arith.mulf %parallel_loop3A_312, %get3A_7 : vector<16xf32>
        %parallel_loop3A_314 = arith.mulf %parallel_loop3A_313, %parallel_loop3A_313 : vector<16xf32>
        %parallel_loop3A_315 = arith.constant -1.98412701E-4 : f32
        %parallel_loop3A_316 = vector.broadcast %parallel_loop3A_315 : f32 to vector<16xf32>
        %parallel_loop3A_317 = arith.mulf %parallel_loop3A_314, %parallel_loop3A_316 : vector<16xf32>
        %parallel_loop3A_318 = arith.constant 0.00833333377 : f32
        %parallel_loop3A_319 = vector.broadcast %parallel_loop3A_318 : f32 to vector<16xf32>
        %parallel_loop3A_320 = arith.addf %parallel_loop3A_317, %parallel_loop3A_319 : vector<16xf32>
        %parallel_loop3A_321 = arith.mulf %parallel_loop3A_320, %parallel_loop3A_314 : vector<16xf32>
        %parallel_loop3A_322 = arith.constant -0.166666672 : f32
        %parallel_loop3A_323 = vector.broadcast %parallel_loop3A_322 : f32 to vector<16xf32>
        %parallel_loop3A_324 = arith.addf %parallel_loop3A_321, %parallel_loop3A_323 : vector<16xf32>
        %parallel_loop3A_325 = arith.mulf %parallel_loop3A_324, %parallel_loop3A_314 : vector<16xf32>
        %parallel_loop3A_326 = arith.constant 1.000000e+00 : f32
        %parallel_loop3A_327 = vector.broadcast %parallel_loop3A_326 : f32 to vector<16xf32>
        %parallel_loop3A_328 = arith.addf %parallel_loop3A_325, %parallel_loop3A_327 : vector<16xf32>
        %parallel_loop3A_329 = arith.mulf %parallel_loop3A_312, %get3A_19 : vector<16xf32>
        %parallel_loop3A_330 = arith.mulf %parallel_loop3A_328, %parallel_loop3A_313 : vector<16xf32>
        %parallel_loop3A_331 = arith.addf %parallel_loop3A_329, %parallel_loop3A_330 : vector<16xf32>
        %parallel_loop3A_332 = arith.index_cast %parallel_loop3A_275 : i32 to index
        %parallel_loop3A_333 = arith.constant 16 : index
        %parallel_loop3A_334 = tpu.vector_load %arg13[%parallel_loop3A_332, %parallel_loop3A_333] {strides = array<i32>} : memref<200x64xf32, #tpu.memory_space<vmem>>, vector<1x16xf32>,
        %parallel_loop3A_335 = vector.shape_cast %parallel_loop3A_334 : vector<1x16xf32> to vector<16xf32>
        %parallel_loop3A_336 = arith.addf %parallel_loop3A_331, %parallel_loop3A_335 : vector<16xf32>
        %parallel_loop3A_337 = arith.index_cast %parallel_loop3A_275 : i32 to index
        %parallel_loop3A_338 = arith.constant 16 : index
        %parallel_loop3A_339 = tpu.vector_load %arg11[%parallel_loop3A_337, %parallel_loop3A_338] {strides = array<i32>} : memref<200x64xf32, #tpu.memory_space<vmem>>, vector<1x16xf32>,
        %parallel_loop3A_340 = vector.shape_cast %parallel_loop3A_339 : vector<1x16xf32> to vector<16xf32>
        %parallel_loop3A_341 = vector.shape_cast %parallel_loop3A_336 : vector<16xf32> to vector<1x16xf32>
        tpu.vector_store %arg11[%parallel_loop3A_337, %parallel_loop3A_338], %parallel_loop3A_341 {strides = array<i32>} : memref<200x64xf32, #tpu.memory_space<vmem>>, vector<1x16xf32>,
        %parallel_loop3A_342 = arith.index_cast %parallel_loop3A_275 : i32 to index
        %parallel_loop3A_343 = arith.constant 32 : index
        %parallel_loop3A_344 = tpu.vector_load %arg11[%parallel_loop3A_342, %parallel_loop3A_343] {strides = array<i32>} : memref<200x64xf32, #tpu.memory_space<vmem>>, vector<1x16xf32>,
        %parallel_loop3A_345 = vector.shape_cast %parallel_loop3A_344 : vector<1x16xf32> to vector<16xf32>
        %parallel_loop3A_346 = arith.mulf %parallel_loop3A_345, %get3A_10 : vector<16xf32>
        %parallel_loop3A_347 = arith.mulf %parallel_loop3A_346, %parallel_loop3A_346 : vector<16xf32>
        %parallel_loop3A_348 = arith.constant -1.98412701E-4 : f32
        %parallel_loop3A_349 = vector.broadcast %parallel_loop3A_348 : f32 to vector<16xf32>
        %parallel_loop3A_350 = arith.mulf %parallel_loop3A_347, %parallel_loop3A_349 : vector<16xf32>
        %parallel_loop3A_351 = arith.constant 0.00833333377 : f32
        %parallel_loop3A_352 = vector.broadcast %parallel_loop3A_351 : f32 to vector<16xf32>
        %parallel_loop3A_353 = arith.addf %parallel_loop3A_350, %parallel_loop3A_352 : vector<16xf32>
        %parallel_loop3A_354 = arith.mulf %parallel_loop3A_353, %parallel_loop3A_347 : vector<16xf32>
        %parallel_loop3A_355 = arith.constant -0.166666672 : f32
        %parallel_loop3A_356 = vector.broadcast %parallel_loop3A_355 : f32 to vector<16xf32>
        %parallel_loop3A_357 = arith.addf %parallel_loop3A_354, %parallel_loop3A_356 : vector<16xf32>
        %parallel_loop3A_358 = arith.mulf %parallel_loop3A_357, %parallel_loop3A_347 : vector<16xf32>
        %parallel_loop3A_359 = arith.constant 1.000000e+00 : f32
        %parallel_loop3A_360 = vector.broadcast %parallel_loop3A_359 : f32 to vector<16xf32>
        %parallel_loop3A_361 = arith.addf %parallel_loop3A_358, %parallel_loop3A_360 : vector<16xf32>
        %parallel_loop3A_362 = arith.mulf %parallel_loop3A_345, %get3A_22 : vector<16xf32>
        %parallel_loop3A_363 = arith.mulf %parallel_loop3A_361, %parallel_loop3A_346 : vector<16xf32>
        %parallel_loop3A_364 = arith.addf %parallel_loop3A_362, %parallel_loop3A_363 : vector<16xf32>
        %parallel_loop3A_365 = arith.index_cast %parallel_loop3A_275 : i32 to index
        %parallel_loop3A_366 = arith.constant 32 : index
        %parallel_loop3A_367 = tpu.vector_load %arg13[%parallel_loop3A_365, %parallel_loop3A_366] {strides = array<i32>} : memref<200x64xf32, #tpu.memory_space<vmem>>, vector<1x16xf32>,
        %parallel_loop3A_368 = vector.shape_cast %parallel_loop3A_367 : vector<1x16xf32> to vector<16xf32>
        %parallel_loop3A_369 = arith.addf %parallel_loop3A_364, %parallel_loop3A_368 : vector<16xf32>
        %parallel_loop3A_370 = arith.index_cast %parallel_loop3A_275 : i32 to index
        %parallel_loop3A_371 = arith.constant 32 : index
        %parallel_loop3A_372 = tpu.vector_load %arg11[%parallel_loop3A_370, %parallel_loop3A_371] {strides = array<i32>} : memref<200x64xf32, #tpu.memory_space<vmem>>, vector<1x16xf32>,
        %parallel_loop3A_373 = vector.shape_cast %parallel_loop3A_372 : vector<1x16xf32> to vector<16xf32>
        %parallel_loop3A_374 = vector.shape_cast %parallel_loop3A_369 : vector<16xf32> to vector<1x16xf32>
        tpu.vector_store %arg11[%parallel_loop3A_370, %parallel_loop3A_371], %parallel_loop3A_374 {strides = array<i32>} : memref<200x64xf32, #tpu.memory_space<vmem>>, vector<1x16xf32>,
        %parallel_loop3A_375 = arith.index_cast %parallel_loop3A_275 : i32 to index
        %parallel_loop3A_376 = arith.constant 48 : index
        %parallel_loop3A_377 = tpu.vector_load %arg11[%parallel_loop3A_375, %parallel_loop3A_376] {strides = array<i32>} : memref<200x64xf32, #tpu.memory_space<vmem>>, vector<1x16xf32>,
        %parallel_loop3A_378 = vector.shape_cast %parallel_loop3A_377 : vector<1x16xf32> to vector<16xf32>
        %parallel_loop3A_379 = arith.mulf %parallel_loop3A_378, %get3A_13 : vector<16xf32>
        %parallel_loop3A_380 = arith.mulf %parallel_loop3A_379, %parallel_loop3A_379 : vector<16xf32>
        %parallel_loop3A_381 = arith.constant -1.98412701E-4 : f32
        %parallel_loop3A_382 = vector.broadcast %parallel_loop3A_381 : f32 to vector<16xf32>
        %parallel_loop3A_383 = arith.mulf %parallel_loop3A_380, %parallel_loop3A_382 : vector<16xf32>
        %parallel_loop3A_384 = arith.constant 0.00833333377 : f32
        %parallel_loop3A_385 = vector.broadcast %parallel_loop3A_384 : f32 to vector<16xf32>
        %parallel_loop3A_386 = arith.addf %parallel_loop3A_383, %parallel_loop3A_385 : vector<16xf32>
        %parallel_loop3A_387 = arith.mulf %parallel_loop3A_386, %parallel_loop3A_380 : vector<16xf32>
        %parallel_loop3A_388 = arith.constant -0.166666672 : f32
        %parallel_loop3A_389 = vector.broadcast %parallel_loop3A_388 : f32 to vector<16xf32>
        %parallel_loop3A_390 = arith.addf %parallel_loop3A_387, %parallel_loop3A_389 : vector<16xf32>
        %parallel_loop3A_391 = arith.mulf %parallel_loop3A_390, %parallel_loop3A_380 : vector<16xf32>
        %parallel_loop3A_392 = arith.constant 1.000000e+00 : f32
        %parallel_loop3A_393 = vector.broadcast %parallel_loop3A_392 : f32 to vector<16xf32>
        %parallel_loop3A_394 = arith.addf %parallel_loop3A_391, %parallel_loop3A_393 : vector<16xf32>
        %parallel_loop3A_395 = arith.mulf %parallel_loop3A_378, %get3A_25 : vector<16xf32>
        %parallel_loop3A_396 = arith.mulf %parallel_loop3A_394, %parallel_loop3A_379 : vector<16xf32>
        %parallel_loop3A_397 = arith.addf %parallel_loop3A_395, %parallel_loop3A_396 : vector<16xf32>
        %parallel_loop3A_398 = arith.index_cast %parallel_loop3A_275 : i32 to index
        %parallel_loop3A_399 = arith.constant 48 : index
        %parallel_loop3A_400 = tpu.vector_load %arg13[%parallel_loop3A_398, %parallel_loop3A_399] {strides = array<i32>} : memref<200x64xf32, #tpu.memory_space<vmem>>, vector<1x16xf32>,
        %parallel_loop3A_401 = vector.shape_cast %parallel_loop3A_400 : vector<1x16xf32> to vector<16xf32>
        %parallel_loop3A_402 = arith.addf %parallel_loop3A_397, %parallel_loop3A_401 : vector<16xf32>
        %parallel_loop3A_403 = arith.index_cast %parallel_loop3A_275 : i32 to index
        %parallel_loop3A_404 = arith.constant 48 : index
        %parallel_loop3A_405 = tpu.vector_load %arg11[%parallel_loop3A_403, %parallel_loop3A_404] {strides = array<i32>} : memref<200x64xf32, #tpu.memory_space<vmem>>, vector<1x16xf32>,
        %parallel_loop3A_406 = vector.shape_cast %parallel_loop3A_405 : vector<1x16xf32> to vector<16xf32>
        %parallel_loop3A_407 = vector.shape_cast %parallel_loop3A_402 : vector<16xf32> to vector<1x16xf32>
        tpu.vector_store %arg11[%parallel_loop3A_403, %parallel_loop3A_404], %parallel_loop3A_407 {strides = array<i32>} : memref<200x64xf32, #tpu.memory_space<vmem>>, vector<1x16xf32>,
      } {sc.loop_unroll_factor = 2 : i64, sc.parallel_access}
      %mul3A_208 = arith.constant 200 : i32
      %mul3A_209 = arith.muli %add3A_186, %mul3A_208 : i32
      %add3A_210 = arith.addi %mul3A_2, %mul3A_209 : i32
      %dma_start3A_211 = arith.constant 0 : i32
      %dma_start3A_212 = tpu.memref_slice %arg7[%add3A_210, %dma_start3A_211] : memref<819200x64xf32, #tpu.memory_space<hbm>> -> memref<200x64xf32, #tpu.memory_space<hbm>>
      %dma_start3A_213 = arith.constant 0 : i32
      %dma_start3A_214 = tpu.memref_slice %arg7[%add3A_210, %dma_start3A_213] : memref<819200x64xf32, #tpu.memory_space<hbm>> -> memref<200x64xf32, #tpu.memory_space<hbm>>
      tpu.enqueue_dma source(%arg11 : memref<200x64xf32, #tpu.memory_space<vmem>>) target(%dma_start3A_214 : memref<200x64xf32, #tpu.memory_space<hbm>>) target_semaphore(%arg22 : memref<!tpu.dma_semaphore, #tpu.memory_space<semaphore_mem>>)
      %sub3A_215 = arith.constant 1 : i32
      %sub3A_216 = arith.subi %add3A_186, %sub3A_215 : i32
      %mul3A_217 = arith.constant 200 : i32
      %mul3A_218 = arith.muli %sub3A_216, %mul3A_217 : i32
      %add3A_219 = arith.addi %mul3A_2, %mul3A_218 : i32
      %dma_wait3A_220 = arith.constant 0 : i32
      %dma_wait3A_221 = tpu.memref_slice %arg7[%add3A_219, %dma_wait3A_220] : memref<819200x64xf32, #tpu.memory_space<hbm>> -> memref<200x64xf32, #tpu.memory_space<hbm>>
      %dma_wait3A_222 = arith.constant 0 : i32
      %dma_wait3A_223 = tpu.memref_slice %arg7[%add3A_219, %dma_wait3A_222] : memref<819200x64xf32, #tpu.memory_space<hbm>> -> memref<200x64xf32, #tpu.memory_space<hbm>>
      tpu.wait_dma2 semaphore(%arg21 : memref<!tpu.dma_semaphore, #tpu.memory_space<semaphore_mem>>) src(%arg10 : memref<200x64xf32, #tpu.memory_space<vmem>>) dst(%dma_wait3A_223 : memref<200x64xf32, #tpu.memory_space<hbm>>)
      %lt3A_224 = arith.constant 31 : i32
      %lt3A_225 = arith.cmpi slt, %scan3A_83, %lt3A_224 : i32
      %convert_element_type3A_226 = arith.extui %lt3A_225 : i1 to i32
      %cond3A_227 = arith.constant 0 : i32
      %cond3A_228 = arith.cmpi ne, %convert_element_type3A_226, %cond3A_227 : i32
      scf.if %cond3A_228 {
        %add3A_275 = arith.constant 4 : i32
        %add3A_276 = arith.addi %add3A_186, %add3A_275 : i32
        %sub3A_277 = arith.constant 1 : i32
        %sub3A_278 = arith.subi %add3A_276, %sub3A_277 : i32
        %mul3A_279 = arith.constant 200 : i32
        %mul3A_280 = arith.muli %sub3A_278, %mul3A_279 : i32
        %dma_start3A_281 = arith.constant 0 : i32
        %dma_start3A_282 = arith.constant 0 : i32
        %dma_start3A_283 = tpu.memref_slice %arg10[%dma_start3A_281, %dma_start3A_282] : memref<200x64xf32, #tpu.memory_space<vmem>> -> memref<128x64xf32, #tpu.memory_space<vmem>>
        %dma_start3A_284 = tpu.memref_slice %arg8[%mul3A_280] : memref<25600xi32, #tpu.memory_space<vmem>> -> memref<128xi32, #tpu.memory_space<vmem>>
        %dma_start3A_285 = arith.constant 0 : i32
        %dma_start3A_286 = arith.constant 0 : i32
        %dma_start3A_287 = tpu.memref_slice %arg3[%dma_start3A_285, %dma_start3A_286] : memref<1000000x64xf32, #tpu.memory_space<hbm>> -> memref<1000000x64xf32, #tpu.memory_space<hbm>>
        tpu.enqueue_indirect_dma source(%dma_start3A_287 : memref<1000000x64xf32, #tpu.memory_space<hbm>>) target(%dma_start3A_283 : memref<128x64xf32, #tpu.memory_space<vmem>>) offsets(%dma_start3A_284 : memref<128xi32, #tpu.memory_space<vmem>>) semaphore(%arg17 : memref<!tpu.dma_semaphore, #tpu.memory_space<semaphore_mem>>)
        %add3A_288 = arith.constant 128 : i32
        %add3A_289 = arith.addi %mul3A_280, %add3A_288 : i32
        %dma_start3A_290 = arith.constant 128 : i32
        %dma_start3A_291 = arith.constant 0 : i32
        %dma_start3A_292 = tpu.memref_slice %arg10[%dma_start3A_290, %dma_start3A_291] : memref<200x64xf32, #tpu.memory_space<vmem>> -> memref<72x64xf32, #tpu.memory_space<vmem>>
        %dma_start3A_293 = tpu.memref_slice %arg8[%add3A_289] : memref<25600xi32, #tpu.memory_space<vmem>> -> memref<72xi32, #tpu.memory_space<vmem>>
        %dma_start3A_294 = arith.constant 0 : i32
        %dma_start3A_295 = arith.constant 0 : i32
        %dma_start3A_296 = tpu.memref_slice %arg3[%dma_start3A_294, %dma_start3A_295] : memref<1000000x64xf32, #tpu.memory_space<hbm>> -> memref<1000000x64xf32, #tpu.memory_space<hbm>>
        tpu.enqueue_indirect_dma source(%dma_start3A_296 : memref<1000000x64xf32, #tpu.memory_space<hbm>>) target(%dma_start3A_292 : memref<72x64xf32, #tpu.memory_space<vmem>>) offsets(%dma_start3A_293 : memref<72xi32, #tpu.memory_space<vmem>>) semaphore(%arg17 : memref<!tpu.dma_semaphore, #tpu.memory_space<semaphore_mem>>)
      } else {
      }
      %mul3A_229 = arith.constant 4 : i32
      %mul3A_230 = arith.muli %mul3A_229, %scan3A_83 : i32
      %add3A_231 = arith.constant 3 : i32
      %add3A_232 = arith.addi %mul3A_230, %add3A_231 : i32
      %mul3A_233 = arith.constant 200 : i32
      %mul3A_234 = arith.muli %add3A_232, %mul3A_233 : i32
      %dma_wait3A_235 = arith.constant 0 : i32
      %dma_wait3A_236 = arith.constant 0 : i32
      %dma_wait3A_237 = tpu.memref_slice %arg12[%dma_wait3A_235, %dma_wait3A_236] : memref<200x64xf32, #tpu.memory_space<vmem>> -> memref<128x64xf32, #tpu.memory_space<vmem>>
      %dma_wait3A_238 = tpu.memref_slice %arg8[%mul3A_234] : memref<25600xi32, #tpu.memory_space<vmem>> -> memref<128xi32, #tpu.memory_space<vmem>>
      %dma_wait3A_239 = arith.constant 0 : i32
      %dma_wait3A_240 = arith.constant 0 : i32
      %dma_wait3A_241 = tpu.memref_slice %arg3[%dma_wait3A_239, %dma_wait3A_240] : memref<1000000x64xf32, #tpu.memory_space<hbm>> -> memref<1000000x64xf32, #tpu.memory_space<hbm>>
      tpu.wait_indirect_dma semaphore(%arg19 : memref<!tpu.dma_semaphore, #tpu.memory_space<semaphore_mem>>) src(%dma_wait3A_241 : memref<1000000x64xf32, #tpu.memory_space<hbm>>) dst(%dma_wait3A_237 : memref<128x64xf32, #tpu.memory_space<vmem>>)
      %add3A_242 = arith.constant 128 : i32
      %add3A_243 = arith.addi %mul3A_234, %add3A_242 : i32
      %dma_wait3A_244 = arith.constant 128 : i32
      %dma_wait3A_245 = arith.constant 0 : i32
      %dma_wait3A_246 = tpu.memref_slice %arg12[%dma_wait3A_244, %dma_wait3A_245] : memref<200x64xf32, #tpu.memory_space<vmem>> -> memref<72x64xf32, #tpu.memory_space<vmem>>
      %dma_wait3A_247 = tpu.memref_slice %arg8[%add3A_243] : memref<25600xi32, #tpu.memory_space<vmem>> -> memref<72xi32, #tpu.memory_space<vmem>>
      %dma_wait3A_248 = arith.constant 0 : i32
      %dma_wait3A_249 = arith.constant 0 : i32
      %dma_wait3A_250 = tpu.memref_slice %arg3[%dma_wait3A_248, %dma_wait3A_249] : memref<1000000x64xf32, #tpu.memory_space<hbm>> -> memref<1000000x64xf32, #tpu.memory_space<hbm>>
      tpu.wait_indirect_dma semaphore(%arg19 : memref<!tpu.dma_semaphore, #tpu.memory_space<semaphore_mem>>) src(%dma_wait3A_250 : memref<1000000x64xf32, #tpu.memory_space<hbm>>) dst(%dma_wait3A_246 : memref<72x64xf32, #tpu.memory_space<vmem>>)
      %parallel_loop3A_251 = arith.constant 0 : i32
      %parallel_loop3A_252 = arith.constant 200 : i32
      %parallel_loop3A_253 = arith.constant 1 : i32
      scf.for %parallel_loop3A_275 = %parallel_loop3A_251 to %parallel_loop3A_252 step %parallel_loop3A_253  : i32 {
        %parallel_loop3A_276 = arith.index_cast %parallel_loop3A_275 : i32 to index
        %parallel_loop3A_277 = arith.constant 0 : index
        %parallel_loop3A_278 = tpu.vector_load %arg12[%parallel_loop3A_276, %parallel_loop3A_277] {strides = array<i32>} : memref<200x64xf32, #tpu.memory_space<vmem>>, vector<1x16xf32>,
        %parallel_loop3A_279 = vector.shape_cast %parallel_loop3A_278 : vector<1x16xf32> to vector<16xf32>
        %parallel_loop3A_280 = arith.mulf %parallel_loop3A_279, %get3A_4 : vector<16xf32>
        %parallel_loop3A_281 = arith.mulf %parallel_loop3A_280, %parallel_loop3A_280 : vector<16xf32>
        %parallel_loop3A_282 = arith.constant -1.98412701E-4 : f32
        %parallel_loop3A_283 = vector.broadcast %parallel_loop3A_282 : f32 to vector<16xf32>
        %parallel_loop3A_284 = arith.mulf %parallel_loop3A_281, %parallel_loop3A_283 : vector<16xf32>
        %parallel_loop3A_285 = arith.constant 0.00833333377 : f32
        %parallel_loop3A_286 = vector.broadcast %parallel_loop3A_285 : f32 to vector<16xf32>
        %parallel_loop3A_287 = arith.addf %parallel_loop3A_284, %parallel_loop3A_286 : vector<16xf32>
        %parallel_loop3A_288 = arith.mulf %parallel_loop3A_287, %parallel_loop3A_281 : vector<16xf32>
        %parallel_loop3A_289 = arith.constant -0.166666672 : f32
        %parallel_loop3A_290 = vector.broadcast %parallel_loop3A_289 : f32 to vector<16xf32>
        %parallel_loop3A_291 = arith.addf %parallel_loop3A_288, %parallel_loop3A_290 : vector<16xf32>
        %parallel_loop3A_292 = arith.mulf %parallel_loop3A_291, %parallel_loop3A_281 : vector<16xf32>
        %parallel_loop3A_293 = arith.constant 1.000000e+00 : f32
        %parallel_loop3A_294 = vector.broadcast %parallel_loop3A_293 : f32 to vector<16xf32>
        %parallel_loop3A_295 = arith.addf %parallel_loop3A_292, %parallel_loop3A_294 : vector<16xf32>
        %parallel_loop3A_296 = arith.mulf %parallel_loop3A_279, %get3A_16 : vector<16xf32>
        %parallel_loop3A_297 = arith.mulf %parallel_loop3A_295, %parallel_loop3A_280 : vector<16xf32>
        %parallel_loop3A_298 = arith.addf %parallel_loop3A_296, %parallel_loop3A_297 : vector<16xf32>
        %parallel_loop3A_299 = arith.index_cast %parallel_loop3A_275 : i32 to index
        %parallel_loop3A_300 = arith.constant 0 : index
        %parallel_loop3A_301 = tpu.vector_load %arg13[%parallel_loop3A_299, %parallel_loop3A_300] {strides = array<i32>} : memref<200x64xf32, #tpu.memory_space<vmem>>, vector<1x16xf32>,
        %parallel_loop3A_302 = vector.shape_cast %parallel_loop3A_301 : vector<1x16xf32> to vector<16xf32>
        %parallel_loop3A_303 = arith.addf %parallel_loop3A_298, %parallel_loop3A_302 : vector<16xf32>
        %parallel_loop3A_304 = arith.index_cast %parallel_loop3A_275 : i32 to index
        %parallel_loop3A_305 = arith.constant 0 : index
        %parallel_loop3A_306 = tpu.vector_load %arg12[%parallel_loop3A_304, %parallel_loop3A_305] {strides = array<i32>} : memref<200x64xf32, #tpu.memory_space<vmem>>, vector<1x16xf32>,
        %parallel_loop3A_307 = vector.shape_cast %parallel_loop3A_306 : vector<1x16xf32> to vector<16xf32>
        %parallel_loop3A_308 = vector.shape_cast %parallel_loop3A_303 : vector<16xf32> to vector<1x16xf32>
        tpu.vector_store %arg12[%parallel_loop3A_304, %parallel_loop3A_305], %parallel_loop3A_308 {strides = array<i32>} : memref<200x64xf32, #tpu.memory_space<vmem>>, vector<1x16xf32>,
        %parallel_loop3A_309 = arith.index_cast %parallel_loop3A_275 : i32 to index
        %parallel_loop3A_310 = arith.constant 16 : index
        %parallel_loop3A_311 = tpu.vector_load %arg12[%parallel_loop3A_309, %parallel_loop3A_310] {strides = array<i32>} : memref<200x64xf32, #tpu.memory_space<vmem>>, vector<1x16xf32>,
        %parallel_loop3A_312 = vector.shape_cast %parallel_loop3A_311 : vector<1x16xf32> to vector<16xf32>
        %parallel_loop3A_313 = arith.mulf %parallel_loop3A_312, %get3A_7 : vector<16xf32>
        %parallel_loop3A_314 = arith.mulf %parallel_loop3A_313, %parallel_loop3A_313 : vector<16xf32>
        %parallel_loop3A_315 = arith.constant -1.98412701E-4 : f32
        %parallel_loop3A_316 = vector.broadcast %parallel_loop3A_315 : f32 to vector<16xf32>
        %parallel_loop3A_317 = arith.mulf %parallel_loop3A_314, %parallel_loop3A_316 : vector<16xf32>
        %parallel_loop3A_318 = arith.constant 0.00833333377 : f32
        %parallel_loop3A_319 = vector.broadcast %parallel_loop3A_318 : f32 to vector<16xf32>
        %parallel_loop3A_320 = arith.addf %parallel_loop3A_317, %parallel_loop3A_319 : vector<16xf32>
        %parallel_loop3A_321 = arith.mulf %parallel_loop3A_320, %parallel_loop3A_314 : vector<16xf32>
        %parallel_loop3A_322 = arith.constant -0.166666672 : f32
        %parallel_loop3A_323 = vector.broadcast %parallel_loop3A_322 : f32 to vector<16xf32>
        %parallel_loop3A_324 = arith.addf %parallel_loop3A_321, %parallel_loop3A_323 : vector<16xf32>
        %parallel_loop3A_325 = arith.mulf %parallel_loop3A_324, %parallel_loop3A_314 : vector<16xf32>
        %parallel_loop3A_326 = arith.constant 1.000000e+00 : f32
        %parallel_loop3A_327 = vector.broadcast %parallel_loop3A_326 : f32 to vector<16xf32>
        %parallel_loop3A_328 = arith.addf %parallel_loop3A_325, %parallel_loop3A_327 : vector<16xf32>
        %parallel_loop3A_329 = arith.mulf %parallel_loop3A_312, %get3A_19 : vector<16xf32>
        %parallel_loop3A_330 = arith.mulf %parallel_loop3A_328, %parallel_loop3A_313 : vector<16xf32>
        %parallel_loop3A_331 = arith.addf %parallel_loop3A_329, %parallel_loop3A_330 : vector<16xf32>
        %parallel_loop3A_332 = arith.index_cast %parallel_loop3A_275 : i32 to index
        %parallel_loop3A_333 = arith.constant 16 : index
        %parallel_loop3A_334 = tpu.vector_load %arg13[%parallel_loop3A_332, %parallel_loop3A_333] {strides = array<i32>} : memref<200x64xf32, #tpu.memory_space<vmem>>, vector<1x16xf32>,
        %parallel_loop3A_335 = vector.shape_cast %parallel_loop3A_334 : vector<1x16xf32> to vector<16xf32>
        %parallel_loop3A_336 = arith.addf %parallel_loop3A_331, %parallel_loop3A_335 : vector<16xf32>
        %parallel_loop3A_337 = arith.index_cast %parallel_loop3A_275 : i32 to index
        %parallel_loop3A_338 = arith.constant 16 : index
        %parallel_loop3A_339 = tpu.vector_load %arg12[%parallel_loop3A_337, %parallel_loop3A_338] {strides = array<i32>} : memref<200x64xf32, #tpu.memory_space<vmem>>, vector<1x16xf32>,
        %parallel_loop3A_340 = vector.shape_cast %parallel_loop3A_339 : vector<1x16xf32> to vector<16xf32>
        %parallel_loop3A_341 = vector.shape_cast %parallel_loop3A_336 : vector<16xf32> to vector<1x16xf32>
        tpu.vector_store %arg12[%parallel_loop3A_337, %parallel_loop3A_338], %parallel_loop3A_341 {strides = array<i32>} : memref<200x64xf32, #tpu.memory_space<vmem>>, vector<1x16xf32>,
        %parallel_loop3A_342 = arith.index_cast %parallel_loop3A_275 : i32 to index
        %parallel_loop3A_343 = arith.constant 32 : index
        %parallel_loop3A_344 = tpu.vector_load %arg12[%parallel_loop3A_342, %parallel_loop3A_343] {strides = array<i32>} : memref<200x64xf32, #tpu.memory_space<vmem>>, vector<1x16xf32>,
        %parallel_loop3A_345 = vector.shape_cast %parallel_loop3A_344 : vector<1x16xf32> to vector<16xf32>
        %parallel_loop3A_346 = arith.mulf %parallel_loop3A_345, %get3A_10 : vector<16xf32>
        %parallel_loop3A_347 = arith.mulf %parallel_loop3A_346, %parallel_loop3A_346 : vector<16xf32>
        %parallel_loop3A_348 = arith.constant -1.98412701E-4 : f32
        %parallel_loop3A_349 = vector.broadcast %parallel_loop3A_348 : f32 to vector<16xf32>
        %parallel_loop3A_350 = arith.mulf %parallel_loop3A_347, %parallel_loop3A_349 : vector<16xf32>
        %parallel_loop3A_351 = arith.constant 0.00833333377 : f32
        %parallel_loop3A_352 = vector.broadcast %parallel_loop3A_351 : f32 to vector<16xf32>
        %parallel_loop3A_353 = arith.addf %parallel_loop3A_350, %parallel_loop3A_352 : vector<16xf32>
        %parallel_loop3A_354 = arith.mulf %parallel_loop3A_353, %parallel_loop3A_347 : vector<16xf32>
        %parallel_loop3A_355 = arith.constant -0.166666672 : f32
        %parallel_loop3A_356 = vector.broadcast %parallel_loop3A_355 : f32 to vector<16xf32>
        %parallel_loop3A_357 = arith.addf %parallel_loop3A_354, %parallel_loop3A_356 : vector<16xf32>
        %parallel_loop3A_358 = arith.mulf %parallel_loop3A_357, %parallel_loop3A_347 : vector<16xf32>
        %parallel_loop3A_359 = arith.constant 1.000000e+00 : f32
        %parallel_loop3A_360 = vector.broadcast %parallel_loop3A_359 : f32 to vector<16xf32>
        %parallel_loop3A_361 = arith.addf %parallel_loop3A_358, %parallel_loop3A_360 : vector<16xf32>
        %parallel_loop3A_362 = arith.mulf %parallel_loop3A_345, %get3A_22 : vector<16xf32>
        %parallel_loop3A_363 = arith.mulf %parallel_loop3A_361, %parallel_loop3A_346 : vector<16xf32>
        %parallel_loop3A_364 = arith.addf %parallel_loop3A_362, %parallel_loop3A_363 : vector<16xf32>
        %parallel_loop3A_365 = arith.index_cast %parallel_loop3A_275 : i32 to index
        %parallel_loop3A_366 = arith.constant 32 : index
        %parallel_loop3A_367 = tpu.vector_load %arg13[%parallel_loop3A_365, %parallel_loop3A_366] {strides = array<i32>} : memref<200x64xf32, #tpu.memory_space<vmem>>, vector<1x16xf32>,
        %parallel_loop3A_368 = vector.shape_cast %parallel_loop3A_367 : vector<1x16xf32> to vector<16xf32>
        %parallel_loop3A_369 = arith.addf %parallel_loop3A_364, %parallel_loop3A_368 : vector<16xf32>
        %parallel_loop3A_370 = arith.index_cast %parallel_loop3A_275 : i32 to index
        %parallel_loop3A_371 = arith.constant 32 : index
        %parallel_loop3A_372 = tpu.vector_load %arg12[%parallel_loop3A_370, %parallel_loop3A_371] {strides = array<i32>} : memref<200x64xf32, #tpu.memory_space<vmem>>, vector<1x16xf32>,
        %parallel_loop3A_373 = vector.shape_cast %parallel_loop3A_372 : vector<1x16xf32> to vector<16xf32>
        %parallel_loop3A_374 = vector.shape_cast %parallel_loop3A_369 : vector<16xf32> to vector<1x16xf32>
        tpu.vector_store %arg12[%parallel_loop3A_370, %parallel_loop3A_371], %parallel_loop3A_374 {strides = array<i32>} : memref<200x64xf32, #tpu.memory_space<vmem>>, vector<1x16xf32>,
        %parallel_loop3A_375 = arith.index_cast %parallel_loop3A_275 : i32 to index
        %parallel_loop3A_376 = arith.constant 48 : index
        %parallel_loop3A_377 = tpu.vector_load %arg12[%parallel_loop3A_375, %parallel_loop3A_376] {strides = array<i32>} : memref<200x64xf32, #tpu.memory_space<vmem>>, vector<1x16xf32>,
        %parallel_loop3A_378 = vector.shape_cast %parallel_loop3A_377 : vector<1x16xf32> to vector<16xf32>
        %parallel_loop3A_379 = arith.mulf %parallel_loop3A_378, %get3A_13 : vector<16xf32>
        %parallel_loop3A_380 = arith.mulf %parallel_loop3A_379, %parallel_loop3A_379 : vector<16xf32>
        %parallel_loop3A_381 = arith.constant -1.98412701E-4 : f32
        %parallel_loop3A_382 = vector.broadcast %parallel_loop3A_381 : f32 to vector<16xf32>
        %parallel_loop3A_383 = arith.mulf %parallel_loop3A_380, %parallel_loop3A_382 : vector<16xf32>
        %parallel_loop3A_384 = arith.constant 0.00833333377 : f32
        %parallel_loop3A_385 = vector.broadcast %parallel_loop3A_384 : f32 to vector<16xf32>
        %parallel_loop3A_386 = arith.addf %parallel_loop3A_383, %parallel_loop3A_385 : vector<16xf32>
        %parallel_loop3A_387 = arith.mulf %parallel_loop3A_386, %parallel_loop3A_380 : vector<16xf32>
        %parallel_loop3A_388 = arith.constant -0.166666672 : f32
        %parallel_loop3A_389 = vector.broadcast %parallel_loop3A_388 : f32 to vector<16xf32>
        %parallel_loop3A_390 = arith.addf %parallel_loop3A_387, %parallel_loop3A_389 : vector<16xf32>
        %parallel_loop3A_391 = arith.mulf %parallel_loop3A_390, %parallel_loop3A_380 : vector<16xf32>
        %parallel_loop3A_392 = arith.constant 1.000000e+00 : f32
        %parallel_loop3A_393 = vector.broadcast %parallel_loop3A_392 : f32 to vector<16xf32>
        %parallel_loop3A_394 = arith.addf %parallel_loop3A_391, %parallel_loop3A_393 : vector<16xf32>
        %parallel_loop3A_395 = arith.mulf %parallel_loop3A_378, %get3A_25 : vector<16xf32>
        %parallel_loop3A_396 = arith.mulf %parallel_loop3A_394, %parallel_loop3A_379 : vector<16xf32>
        %parallel_loop3A_397 = arith.addf %parallel_loop3A_395, %parallel_loop3A_396 : vector<16xf32>
        %parallel_loop3A_398 = arith.index_cast %parallel_loop3A_275 : i32 to index
        %parallel_loop3A_399 = arith.constant 48 : index
        %parallel_loop3A_400 = tpu.vector_load %arg13[%parallel_loop3A_398, %parallel_loop3A_399] {strides = array<i32>} : memref<200x64xf32, #tpu.memory_space<vmem>>, vector<1x16xf32>,
        %parallel_loop3A_401 = vector.shape_cast %parallel_loop3A_400 : vector<1x16xf32> to vector<16xf32>
        %parallel_loop3A_402 = arith.addf %parallel_loop3A_397, %parallel_loop3A_401 : vector<16xf32>
        %parallel_loop3A_403 = arith.index_cast %parallel_loop3A_275 : i32 to index
        %parallel_loop3A_404 = arith.constant 48 : index
        %parallel_loop3A_405 = tpu.vector_load %arg12[%parallel_loop3A_403, %parallel_loop3A_404] {strides = array<i32>} : memref<200x64xf32, #tpu.memory_space<vmem>>, vector<1x16xf32>,
        %parallel_loop3A_406 = vector.shape_cast %parallel_loop3A_405 : vector<1x16xf32> to vector<16xf32>
        %parallel_loop3A_407 = vector.shape_cast %parallel_loop3A_402 : vector<16xf32> to vector<1x16xf32>
        tpu.vector_store %arg12[%parallel_loop3A_403, %parallel_loop3A_404], %parallel_loop3A_407 {strides = array<i32>} : memref<200x64xf32, #tpu.memory_space<vmem>>, vector<1x16xf32>,
      } {sc.loop_unroll_factor = 2 : i64, sc.parallel_access}
      %mul3A_254 = arith.constant 200 : i32
      %mul3A_255 = arith.muli %add3A_232, %mul3A_254 : i32
      %add3A_256 = arith.addi %mul3A_2, %mul3A_255 : i32
      %dma_start3A_257 = arith.constant 0 : i32
      %dma_start3A_258 = tpu.memref_slice %arg7[%add3A_256, %dma_start3A_257] : memref<819200x64xf32, #tpu.memory_space<hbm>> -> memref<200x64xf32, #tpu.memory_space<hbm>>
      %dma_start3A_259 = arith.constant 0 : i32
      %dma_start3A_260 = tpu.memref_slice %arg7[%add3A_256, %dma_start3A_259] : memref<819200x64xf32, #tpu.memory_space<hbm>> -> memref<200x64xf32, #tpu.memory_space<hbm>>
      tpu.enqueue_dma source(%arg12 : memref<200x64xf32, #tpu.memory_space<vmem>>) target(%dma_start3A_260 : memref<200x64xf32, #tpu.memory_space<hbm>>) target_semaphore(%arg23 : memref<!tpu.dma_semaphore, #tpu.memory_space<semaphore_mem>>)
      %sub3A_261 = arith.constant 1 : i32
      %sub3A_262 = arith.subi %add3A_232, %sub3A_261 : i32
      %mul3A_263 = arith.constant 200 : i32
      %mul3A_264 = arith.muli %sub3A_262, %mul3A_263 : i32
      %add3A_265 = arith.addi %mul3A_2, %mul3A_264 : i32
      %dma_wait3A_266 = arith.constant 0 : i32
      %dma_wait3A_267 = tpu.memref_slice %arg7[%add3A_265, %dma_wait3A_266] : memref<819200x64xf32, #tpu.memory_space<hbm>> -> memref<200x64xf32, #tpu.memory_space<hbm>>
      %dma_wait3A_268 = arith.constant 0 : i32
      %dma_wait3A_269 = tpu.memref_slice %arg7[%add3A_265, %dma_wait3A_268] : memref<819200x64xf32, #tpu.memory_space<hbm>> -> memref<200x64xf32, #tpu.memory_space<hbm>>
      tpu.wait_dma2 semaphore(%arg22 : memref<!tpu.dma_semaphore, #tpu.memory_space<semaphore_mem>>) src(%arg11 : memref<200x64xf32, #tpu.memory_space<vmem>>) dst(%dma_wait3A_269 : memref<200x64xf32, #tpu.memory_space<hbm>>)
      %lt3A_270 = arith.constant 31 : i32
      %lt3A_271 = arith.cmpi slt, %scan3A_83, %lt3A_270 : i32
      %convert_element_type3A_272 = arith.extui %lt3A_271 : i1 to i32
      %cond3A_273 = arith.constant 0 : i32
      %cond3A_274 = arith.cmpi ne, %convert_element_type3A_272, %cond3A_273 : i32
      scf.if %cond3A_274 {
        %add3A_275 = arith.constant 4 : i32
        %add3A_276 = arith.addi %add3A_232, %add3A_275 : i32
        %sub3A_277 = arith.constant 1 : i32
        %sub3A_278 = arith.subi %add3A_276, %sub3A_277 : i32
        %mul3A_279 = arith.constant 200 : i32
        %mul3A_280 = arith.muli %sub3A_278, %mul3A_279 : i32
        %dma_start3A_281 = arith.constant 0 : i32
        %dma_start3A_282 = arith.constant 0 : i32
        %dma_start3A_283 = tpu.memref_slice %arg11[%dma_start3A_281, %dma_start3A_282] : memref<200x64xf32, #tpu.memory_space<vmem>> -> memref<128x64xf32, #tpu.memory_space<vmem>>
        %dma_start3A_284 = tpu.memref_slice %arg8[%mul3A_280] : memref<25600xi32, #tpu.memory_space<vmem>> -> memref<128xi32, #tpu.memory_space<vmem>>
        %dma_start3A_285 = arith.constant 0 : i32
        %dma_start3A_286 = arith.constant 0 : i32
        %dma_start3A_287 = tpu.memref_slice %arg3[%dma_start3A_285, %dma_start3A_286] : memref<1000000x64xf32, #tpu.memory_space<hbm>> -> memref<1000000x64xf32, #tpu.memory_space<hbm>>
        tpu.enqueue_indirect_dma source(%dma_start3A_287 : memref<1000000x64xf32, #tpu.memory_space<hbm>>) target(%dma_start3A_283 : memref<128x64xf32, #tpu.memory_space<vmem>>) offsets(%dma_start3A_284 : memref<128xi32, #tpu.memory_space<vmem>>) semaphore(%arg18 : memref<!tpu.dma_semaphore, #tpu.memory_space<semaphore_mem>>)
        %add3A_288 = arith.constant 128 : i32
        %add3A_289 = arith.addi %mul3A_280, %add3A_288 : i32
        %dma_start3A_290 = arith.constant 128 : i32
        %dma_start3A_291 = arith.constant 0 : i32
        %dma_start3A_292 = tpu.memref_slice %arg11[%dma_start3A_290, %dma_start3A_291] : memref<200x64xf32, #tpu.memory_space<vmem>> -> memref<72x64xf32, #tpu.memory_space<vmem>>
        %dma_start3A_293 = tpu.memref_slice %arg8[%add3A_289] : memref<25600xi32, #tpu.memory_space<vmem>> -> memref<72xi32, #tpu.memory_space<vmem>>
        %dma_start3A_294 = arith.constant 0 : i32
        %dma_start3A_295 = arith.constant 0 : i32
        %dma_start3A_296 = tpu.memref_slice %arg3[%dma_start3A_294, %dma_start3A_295] : memref<1000000x64xf32, #tpu.memory_space<hbm>> -> memref<1000000x64xf32, #tpu.memory_space<hbm>>
        tpu.enqueue_indirect_dma source(%dma_start3A_296 : memref<1000000x64xf32, #tpu.memory_space<hbm>>) target(%dma_start3A_292 : memref<72x64xf32, #tpu.memory_space<vmem>>) offsets(%dma_start3A_293 : memref<72xi32, #tpu.memory_space<vmem>>) semaphore(%arg18 : memref<!tpu.dma_semaphore, #tpu.memory_space<semaphore_mem>>)
      } else {
      }
    }
    %scan3A_77 = arith.constant 32 : i32
    %add3A_78 = arith.constant 25400 : i32
    %add3A_79 = arith.addi %mul3A_2, %add3A_78 : i32
    %dma_wait3A = arith.constant 0 : i32
    %dma_wait3A_80 = tpu.memref_slice %arg7[%add3A_79, %dma_wait3A] : memref<819200x64xf32, #tpu.memory_space<hbm>> -> memref<200x64xf32, #tpu.memory_space<hbm>>
    %dma_wait3A_81 = arith.constant 0 : i32
    %dma_wait3A_82 = tpu.memref_slice %arg7[%add3A_79, %dma_wait3A_81] : memref<819200x64xf32, #tpu.memory_space<hbm>> -> memref<200x64xf32, #tpu.memory_space<hbm>>
    tpu.wait_dma2 semaphore(%arg23 : memref<!tpu.dma_semaphore, #tpu.memory_space<semaphore_mem>>) src(%arg12 : memref<200x64xf32, #tpu.memory_space<vmem>>) dst(%dma_wait3A_82 : memref<200x64xf32, #tpu.memory_space<hbm>>)
    return
  }
}

</mosaic_0001>

<sc_bundles>
// kernel: kernel.3.cloned.1.call-start
scs
__scs_entry_jumppad:
0x0: {  	(pc) =	sbr.rel $0x88, $3  }
0x1: {  	(tag) =	ssettag $0x0;
	lr =	simm.s32 $0x1  }
0x2: {  	[smem:$0x3F9C] =	sst lr;
	_ =	strace $0xD0000000  }
0x3: {  	_ = 	snop  }
0x4: {  	_ = 	snop  }
0x5: {  	_ = 	snop  }
0x6: {  	_ = 	snop  }
0x7: {  	_ = 	snop  }
__scs_overlays_trampoline_lowered:
0x8: {  	[smem:$0x3FAB] =	sst s0  }
0x9: {  	[smem:$0x3FAC] =	sst s1  }
0xa: {  	[smem:$0x3FAD] =	sst s2  }
0xb: {  	[smem:$0x3FAE] =	sst s3  }
0xc: {  	[smem:$0x3FAF] =	sst s4  }
0xd: {  	[smem:$0x3FB0] =	sst s5  }
0xe: {  	[smem:$0x3FB1] =	sst s6  }
0xf: {  	[smem:$0x3FB2] =	sst s7  }
0x10: {  	[smem:$0x3FB3] =	sst s8  }
0x11: {  	[smem:$0x3FB4] =	sst s9;
	s0 =	simm.s32 @!p0 $0x0  }
0x12: {  	s1 =	sld [smem:$0x3F9A];
	s0 =	simm.s32 @p0 $0x1  }
0x13: {  	[smem:$0x3FB5] =	sst s0;
	s0 =	simm.s32 @!p1 $0x0  }
0x14: {  	s2 =	sld [smem:$0x3F99];
	s0 =	simm.s32 @p1 $0x1  }
0x15: {  	[smem:$0x3FB6] =	sst s0;
	s0 =	simm.s32 @!p2 $0x0  }
0x16: {  	s3 =	sld [smem:$0x3FDB];
	s0 =	simm.s32 @p2 $0x1  }
0x17: {  	s4 =	simm.s32 $0x1BF5;
	[smem:$0x3FB8] =	sst s0  }
0x18: {  	s0 =	sld [smem:$0x3F9B];
	_ =	swait.ge [sflag:s4], $0x0  }
0x19: {  	s7 =	sld [smem:$0x3F9C]  }
0x1a: {  	s8 =	sadd.s32 $0xFFFFE003, lr  }
0x1b: {  	s9 =	sadd.s32 $0xFFFFFEF7, lr;
	s5 =	simm.s32 $0xFFFFFFFF;
	p2 =	slt.u32 s8, $0xFFFFF086  }
0x1c: {  	p1 =	slt.u32 s9, $0xF7A;
	s5 =	simm.s32 @!p2 $0x0  }
0x1d: {  	s5 =	simm.s32 @p1 $0x1;
	p0 =	seq.s32 s7, s2  }
0x1e: {  	s7 =	smul.u32 @!p0 $0xF7A, s2;
	p2 =	seq.s32 @!p0 s5, $0x0  }
0x1f: {  	s9 =	smul.u32 $0xF7A, s1;
	s8 =	simm.s32 @!p0 $0x1BF5;
	p2 =	por !p2, p0  }
0x20: {  	[sflag:s8] =	ssyncset.s32 @!p0 $0xFFFFF086;
	s6 =	sadd.s32 @!p0 s3, s7;
	s7 =	simm.s32 @!p0 $0x108  }
0x21: {  	s3 =	sadd.s32 s3, s9;
	s6 =	sadd.s32 @!p0 $0x88, s6;
	s7 =	simm.s32 @p2 $0x1082  }
0x22: {  	[simem:s7], [sflag:s8] =	dma.local @!p0 [hbm:s6], $0xF7A  }
0x23: {  	s9 =	sor.u32 $0xD0000000, s2;
	s6 =	simm.s32 $0x108;
	_ =	swait.ge @!p0 [sflag:s8], $0x0  }
0x24: {  	s3 =	sadd.s32 $0x88, s3;
	s6 =	simm.s32 @!p1 $0x1082;
	[sflag:s4] =	ssyncset.s32 $0xFFFFF086  }
0x25: {  	[simem:s6], [sflag:s4] =	dma.local [hbm:s3], $0xF7A  }
0x26: {  	[smem:$0x3F9C] =	sst s1;
	(tag) =	ssettag s2;
	_ =	strace s9  }
0x27: {  	s1 =	sld [smem:$0x3FAC]  }
0x28: {  	s2 =	sld [smem:$0x3FAD]  }
0x29: {  	s4 =	sld [smem:$0x3FAF]  }
0x2a: {  	p0 =	seq.s32 s5, $0x0;
	s5 =	sld [smem:$0x3FB0]  }
0x2b: {  	s6 =	sld [smem:$0x3FB1]  }
0x2c: {  	s7 =	sld [smem:$0x3FB2]  }
0x2d: {  	s3 =	simm.s32 $0x108;
	s8 =	sld [smem:$0x3FB3]  }
0x2e: {  	s3 =	simm.s32 @!p0 $0x1082;
	s9 =	sld [smem:$0x3FB4]  }
0x2f: {  	lr =	sadd.s32 s0, s3;
	s0 =	sld [smem:$0x3FAB]  }
0x30: {  	s3 =	sld [smem:$0x3FAE]  }
0x31: {  	[smem:$0x3FB7] =	sst s10  }
0x32: {  	s10 =	sld [smem:$0x3FB5];
	_ =	sdelay $0x3  }
0x33: {  	p0 =	seq.s32 s10, $0x1;
	s10 =	sld [smem:$0x3FB7];
	_ =	sdelay $0x3  }
0x34: {  	[smem:$0x3FB7] =	sst s10  }
0x35: {  	s10 =	sld [smem:$0x3FB6];
	_ =	sdelay $0x3  }
0x36: {  	p1 =	seq.s32 s10, $0x1;
	s10 =	sld [smem:$0x3FB7];
	_ =	sdelay $0x3  }
0x37: {  	[smem:$0x3FB7] =	sst s10  }
0x38: {  	s10 =	sld [smem:$0x3FB8]  }
0x39: {  	_ = 	snop;
	(pc) =	sbr.ind lr, $3  }
0x3a: {  	_ = 	snop  }
0x3b: {  	_ = 	snop  }
0x3c: {  	p2 =	seq.s32 s10, $0x1;
	s10 =	sld [smem:$0x3FB7]  }
0x3d: {  	_ =	shalt  }
0x3e: {  	_ =	shalt  }
0x3f: {  	_ =	shalt  }
0x40: {  	_ =	shalt  }
0x41: {  	_ =	shalt  }
0x42: {  	_ =	shalt  }
0x43: {  	_ =	shalt  }
0x44: {  	_ =	shalt  }
0x45: {  	_ =	shalt  }
0x46: {  	_ =	shalt  }
0x47: {  	_ =	shalt  }
0x48: {  	_ =	shalt  }
0x49: {  	_ =	shalt  }
0x4a: {  	_ =	shalt  }
0x4b: {  	_ =	shalt  }
0x4c: {  	_ =	shalt  }
0x4d: {  	_ =	shalt  }
0x4e: {  	_ =	shalt  }
0x4f: {  	_ =	shalt  }
0x50: {  	_ =	shalt  }
0x51: {  	_ =	shalt  }
0x52: {  	_ =	shalt  }
0x53: {  	_ =	shalt  }
0x54: {  	_ =	shalt  }
0x55: {  	_ =	shalt  }
0x56: {  	_ =	shalt  }
0x57: {  	_ =	shalt  }
0x58: {  	_ =	shalt  }
0x59: {  	_ =	shalt  }
0x5a: {  	_ =	shalt  }
0x5b: {  	_ =	shalt  }
0x5c: {  	_ =	shalt  }
0x5d: {  	_ =	shalt  }
0x5e: {  	_ =	shalt  }
0x5f: {  	_ =	shalt  }
0x60: {  	_ =	shalt  }
0x61: {  	_ =	shalt  }
0x62: {  	_ =	shalt  }
0x63: {  	_ =	shalt  }
0x64: {  	_ =	shalt  }
0x65: {  	_ =	shalt  }
0x66: {  	_ =	shalt  }
0x67: {  	_ =	shalt  }
0x68: {  	_ =	shalt  }
0x69: {  	_ =	shalt  }
0x6a: {  	_ =	shalt  }
0x6b: {  	_ =	shalt  }
0x6c: {  	_ =	shalt  }
0x6d: {  	_ =	shalt  }
0x6e: {  	_ =	shalt  }
0x6f: {  	_ =	shalt  }
0x70: {  	_ =	shalt  }
0x71: {  	_ =	shalt  }
0x72: {  	_ =	shalt  }
0x73: {  	_ =	shalt  }
0x74: {  	_ =	shalt  }
0x75: {  	_ =	shalt  }
0x76: {  	_ =	shalt  }
0x77: {  	_ =	shalt  }
0x78: {  	_ =	shalt  }
0x79: {  	_ =	shalt  }
0x7a: {  	_ =	shalt  }
0x7b: {  	_ =	shalt  }
0x7c: {  	_ =	shalt  }
0x7d: {  	_ =	shalt  }
0x7e: {  	_ =	shalt  }
0x7f: {  	_ =	shalt  }
0x80: {  	_ =	shalt  }
0x81: {  	_ =	shalt  }
0x82: {  	_ =	shalt  }
0x83: {  	_ =	shalt  }
0x84: {  	_ =	shalt  }
0x85: {  	_ =	shalt  }
0x86: {  	_ =	shalt  }
0x87: {  	_ =	shalt  }
.Lfunc_end0:
.L_simem_size_0:
called_computation.1_lowered:
.L_overlay_start_0:
0x88: {  	s2 =	sld [smem:$0x3FD9]  }
0x89: {  	s3 =	sld [smem:$0x3FFE];
	_ =	sdelay $0x1  }
0x8a: {  	s1 =	srdreg.scid  }
0x8b: {  	s0 =	sand.u32 $0x1, s1  }
0x8c: {  	s17 =	sshll.u32 s0, $0xA;
	s2 =	sadd.s32 s3, s2  }
0x8d: {  	s2 =	sadd.s32 s2, s17  }
0x8e: {  	[smem:$0x3FC3] =	sst s2  }
0x8f: {  	_ = 	snop  }
0x90: {  	s2 =	sld [smem:$0x3FC6]  }
0x91: {  	s18 =	sld [smem:$0x3FC5]  }
0x92: {  	s4 =	sld [smem:$0x3FD0];
	(tm) =	ssettm $0x1  }
0x93: {  	s5 =	sld [smem:$0x3FFB];
	_ =	sdelay $0x3  }
0x94: {  	_ =	strace s5  }
0x95: {  	s5 =	sld [smem:$0x3FFC];
	_ =	sdelay $0x3  }
0x96: {  	_ =	strace s5  }
0x97: {  	s5 =	sld [smem:$0x3FFD];
	_ =	sdelay $0x3  }
0x98: {  	_ =	strace s5  }
0x99: {  	_ =	strace $0x8FFFFFFF  }
0x9a: {  	s19 =	sld [smem:$0x3FDB];
	_ =	sdelay $0x1  }
0x9b: {  	s6 =	simm.s32 $_scs_section_size  }
0x9c: {  	s7 =	simm.s32 $_size__tile_overlayer_lowered;
	s8 =	simm.s32 $_tile_overlayer_lowered  }
0x9d: {  	s22 =	simm.s32 $0x1BFF;
	s21 =	sshll.u32 s8, $0x1;
	s5 =	sadd.s32 s6, s19  }
0x9e: {  	s9 =	simm.s32 $0x0;
	s20 =	sshll.u32 s7, $0x1;
	s7 =	sadd.s32 s21, s5  }
0x9f: {  	[timem:s9], [sflag:s22] =	dma.local [hbm:s7], s20  }
0xa0: {  	_ =	swait.ge [sflag:s22], s20  }
0xa1: {  	s6 =	ssub.s32 $0x0, s20;
	[sflag:s22] =	ssyncset.done $0x0  }
0xa2: {  	[sflag:s22] =	ssyncadd.s32 s6;
	_ =	sdelay $0x1  }
0xa3: {  	s23 =	simm.s32 $0x1B8B  }
0xa4: {  	_ =	swait.ge [sflag:s23], $0x1  }
0xa5: {  	[sflag:s23] =	ssyncset.done $0x0  }
0xa6: {  	s25 =	simm.s32 $0x1B8E;
	s24 =	sld [smem:$0x3FFE];
	[sflag:s23] =	ssyncadd.s32 $0xFFFFFFFF  }
0xa7: {  	s26 =	simm.s32 $execute0_lowered;
	[smem:$0x3FD2] =	sst s25  }
0xa8: {  	s7 =	sshll.u32 s26, $0x1;
	_ =	strace $0x80000046;
	[dreg:$0x1] =	wrdreg $0xFFFFFFFF  }
0xa9: {  	s28 =	simm.s32 $_size_execute0_lowered;
	s5 =	sadd.s32 s5, s7;
	[dreg:$0x0] =	wrdreg $0x0  }
0xaa: {  	s7 =	sshll.u32 s28, $0x1;
	[dreg:$0x2] =	wrdreg s5  }
0xab: {  	[dreg:$0x3] =	wrdreg s7  }
0xac: {  	[dreg:$0x4] =	wrdreg $0xC0  }
0xad: {  	_ =	task [dreg:s9], $0x5FFFF  }
0xae: {  	[dreg:$0x1] =	wrdreg $0xFFFFFFFF  }
0xaf: {  	[dreg:$0x0] =	wrdreg $0x60  }
0xb0: {  	[dreg:$0x2] =	wrdreg s24  }
0xb1: {  	[dreg:$0x3] =	wrdreg s2  }
0xb2: {  	[dreg:$0x4] =	wrdreg s18  }
0xb3: {  	[dreg:$0x5] =	wrdreg s4  }
0xb4: {  	[dreg:$0x6] =	wrdreg $0x9  }
0xb5: {  	_ =	task.clear_ibuf [dreg:s9], $0x7FFFF;
	_ =	strace $0x90000046  }
0xb6: {  	s29 =	simm.s32 $0x9;
	_ =	strace $0x80000048  }
0xb7: {  	_ =	swait.ge [sflag:s29], $0x1  }
0xb8: {  	[sflag:s29] =	ssyncadd.s32 $0xFFFFFFFF  }
0xb9: {  	_ =	strace $0x90000048  }
0xba: {  	_ =	sfence  }
0xbb: {  	s30 =	sld [smem:$0x0];
	_ =	sdelay $0x2  }
0xbc: {  	s31 =	sshll.u32 s1, $0xD;
	s1 =	sshrl.u32 s1, $0x2  }
0xbd: {  	s3 =	sand.u32 $0x4000, s31;
	s1 =	sadd.s32 s1, s30  }
0xbe: {  	s0 =	sor.u32 s3, s0;
	s1 =	sshll.u32 s1, $0x11  }
0xbf: {  	s0 =	sor.u32 s1, s0  }
0xc0: {  	s0 =	sadd.s32 $0x8F2B, s0  }
0xc1: {  	[sflag:s0] =	ssyncadd.remote.s32 $0x1  }
0xc2: {  	_ =	sfence.sel $0xFFFF  }
0xc3: {  	[dreg:$0x0] =	wrdreg $0xFFFFFFFF;
	(pc) =	sbr.abs _section_cstart, $3  }
0xc4: {  	[dreg:$0x1] =	wrdreg $0xFFFFFFFF  }
0xc5: {  	_ =	task.clear_ibuf [dreg:s9], $0x2FFFF;
	_ =	strace $0x9FFFFFFF  }
0xc6: {  	(tm) =	ssettm $0x7FFFFFFF  }
0xc7: {  	_ =	shalt  }
tec
execute0_lowered:
.L_overlay_start_1:
0x0: {  	(tag) =	ssettag $0x1  }
0x1: {  	s0 =	rddreg [dreg:$0x0]  }
0x2: {  	s1 =	srdreg.scid;
	s2 =	stileid.u32  }
0x3: {  	s4 =	rddreg [dreg:$0x3];
	s5 =	simm.s32 $0x0;
	s17 =	simm.s32 $0x80  }
0x4: {  	s18 =	simm.s32 $0x6400;
	s19 =	simm.s32 $0x48;
	s22 =	simm.s32 $0x9600  }
0x5: {  	s29 =	simm.s32 $0xE800;
	s30 =	simm.s32 $0x1;
	s31 =	simm.s32 $0xFA00  }
0x6: {  	s14 =	simm.s32 $0x6;
	s15 =	simm.s32 $0x4;
	s16 =	simm.s32 $0x7  }
0x7: {  	s21 =	simm.s32 $0x0;
	s1 =	sand.u32 $0x1, s1;
	s2 =	sshll.u32 s2, $0x1  }
0x8: {  	[smem:$0x7FF] =	sst s5;
	s2 =	sor.u32 s1, s2;
	s1 =	ssub.s32 $0x2, s1  }
0x9: {  	s7 =	sadd.s32 $0xF43000, s0;
	s6 =	smul.u32 $0x6400, s2;
	s3 =	sshrl.u32 s1, $0x1  }
0xa: {  	_ =	strace $0x80000047;
	s26 =	ssub.s32 s1, s3;
	s1 =	simm.s32 $0x5  }
.Ltmp0:
0xb: {  	s3 =	simm.s32 $0x3;
	s2 =	sshrl.u32 s6, $0x3;
	(pc) =	sbr.rel .LBB2_1-.Ltmp0, $4  }
0xc: {  	s10 =	sor.u32 $0xC8, s6;
	s2 =	sadd.s32 s2, s0;
	s0 =	sadd.s32 $0x19C00, s0  }
0xd: {  	s11 =	sor.u32 $0x190, s6;
	[dreg:$0x5] =	wrdreg s0;
	s28 =	sadd.s32 $0xC00, s2  }
0xe: {  	s0 =	smax.u32 s26, $0x1;
	s26 =	simm.s32 $0xC800;
	[dreg:$0x6] =	wrdreg s28  }
0xf: {  	s2 =	simm.s32 $0x11A00;
	[dreg:$0x7] =	wrdreg s0;
	s0 =	simm.s32 $0x2  }
.LBB2_12:
0x10: {  	s9 =	simm.s32 $0x8  }
0x11: {  	_ =	swait.ge [sflag:s9], $0x3200  }
0x12: {  	s21 =	sadd.s32 $0x1, s21;
	s8 =	rddreg [dreg:$0x7]  }
0x13: {  	p0 =	sne.s32 s21, s8  }
.Ltmp1:
0x14: {  	_ = 	snop;
	(pc) =	sbr.rel @!p0 .LBB2_13-.Ltmp1, $3  }
0x15: {  	_ =	sdelay $0x1  }
0x16: {  	[sflag:s9] =	ssyncset.done $0x0  }
0x17: {  	[sflag:s9] =	ssyncadd.s32 $0xFFFFCE00  }
.LBB2_1:
0x18: {  	s8 =	rddreg [dreg:$0x6];
	s9 =	simm.s32 $0x9  }
0x19: {  	[tilespmem:s5], [sflag:$0x9] =	stream.linear.gather [hbm4b:s8+s5], $0x6400, $0x38;
	[tilespmem:$0x15E80] =	vst v63  }
0x1a: {  	_ =	swait.ge [sflag:s9], $0x6400  }
0x1b: {  	[sflag:s9] =	ssyncset.done $0x0  }
0x1c: {  	s12 =	simm.s32 $0x12C00;
	s20 =	rddreg [dreg:$0x5];
	[sflag:s9] =	ssyncadd.s32 $0xFFFF9C00  }
0x1d: {  	[tilespmem:s12], [sflag:$0x9] =	stream.linear.gather [hbm4b:s20+s5], $0x3200, $0x38;
	[tilespmem:$0x15E80] =	vst v63  }
0x1e: {  	_ =	swait.ge [sflag:s9], $0x3200  }
0x1f: {  	[sflag:s9] =	ssyncset.done $0x0  }
0x20: {  	[sflag:s9] =	ssyncadd.s32 $0xFFFFCE00  }
0x21: {  	s24 =	simm.s32 $0x15E00;
	s23 =	rddreg [dreg:$0x1]  }
0x22: {  	[tilespmem:s24], [sflag:$0x9] =	stream.linear.gather [hbm4b:s23+s5], $0x40, $0x38;
	[tilespmem:$0x15E80] =	vst v63  }
0x23: {  	_ =	swait.ge [sflag:s9], $0x40  }
0x24: {  	[sflag:s9] =	ssyncset.done $0x0  }
0x25: {  	[sflag:s9] =	ssyncadd.s32 $0xFFFFFFC0  }
0x26: {  	s28 =	simm.s32 $0x15E40;
	s25 =	rddreg [dreg:$0x2]  }
0x27: {  	[tilespmem:s28], [sflag:$0x9] =	stream.linear.gather [hbm4b:s25+s5], $0x40, $0x38;
	[tilespmem:$0x15E80] =	vst v63  }
0x28: {  	_ =	swait.ge [sflag:s9], $0x40  }
0x29: {  	[sflag:s9] =	ssyncset.done $0x0  }
0x2a: {  	[sflag:s9] =	ssyncadd.s32 $0xFFFFFFC0  }
0x2b: {  	v0 =	vld [tilespmem:$0x15E00]  }
0x2c: {  	v1 =	vld [tilespmem:$0x15E10]  }
0x2d: {  	v2 =	vld [tilespmem:$0x15E20]  }
0x2e: {  	v3 =	vld [tilespmem:$0x15E30]  }
0x2f: {  	v4 =	vld [tilespmem:$0x15E40]  }
0x30: {  	v5 =	vld [tilespmem:$0x15E50]  }
0x31: {  	v6 =	vld [tilespmem:$0x15E60]  }
0x32: {  	v7 =	vld [tilespmem:$0x15E70];
	[tilespmem:s18], [sflag:$0x1] =	stream.indirect.gather [hbm4b:s7+s17], $0x40, s5, s17, $0xb8  }
0x33: {  	s13 =	simm.s32 $0x8400  }
0x34: {  	[tilespmem:s13], [sflag:$0x1] =	stream.indirect.gather [hbm4b:s7+s19], $0x40, s17, s19, $0xb8;
	[tilespmem:$0x15E80] =	vst v63  }
0x35: {  	s20 =	simm.s32 $0xC8  }
0x36: {  	[tilespmem:s22], [sflag:$0x2] =	stream.indirect.gather [hbm4b:s7+s17], $0x40, s20, s17, $0xb8;
	[tilespmem:$0x15E80] =	vst v63  }
0x37: {  	s23 =	simm.s32 $0x148;
	s24 =	simm.s32 $0xB600  }
0x38: {  	[tilespmem:s24], [sflag:$0x2] =	stream.indirect.gather [hbm4b:s7+s19], $0x40, s23, s19, $0xb8;
	[tilespmem:$0x15E80] =	vst v63  }
0x39: {  	s25 =	simm.s32 $0x190  }
0x3a: {  	[tilespmem:s26], [sflag:$0x3] =	stream.indirect.gather [hbm4b:s7+s17], $0x40, s25, s17, $0xb8;
	[tilespmem:$0x15E80] =	vst v63  }
0x3b: {  	s28 =	simm.s32 $0x210;
	s23 =	simm.s32 $0x0  }
0x3c: {  	[tilespmem:s29], [sflag:$0x3] =	stream.indirect.gather [hbm4b:s7+s19], $0x40, s28, s19, $0xb8;
	[tilespmem:$0x15E80] =	vst v63  }
.LBB2_2:
0x3d: {  	_ =	swait.ge [sflag:s30], $0x2000  }
0x3e: {  	[sflag:s30] =	ssyncset.done $0x0  }
0x3f: {  	[sflag:s30] =	ssyncadd.s32 $0xFFFFE000  }
0x40: {  	_ =	swait.ge [sflag:s30], $0x1200  }
0x41: {  	[sflag:s30] =	ssyncset.done $0x0  }
0x42: {  	s25 =	simm.s32 $0x6440;
	[sflag:s30] =	ssyncadd.s32 $0xFFFFEE00  }
0x43: {  	v8 =	vld [tilespmem:s25+$0x0];
	_ =	sdelay $0x4  }
0x44: {  	v10 =	vld [tilespmem:s25+$0x30];
	v9 =	vmul.f32 v8, v0  }
0x45: {  	v11 =	vld [tilespmem:s25+$0x10]  }
0x46: {  	v13 =	vld [tilespmem:s25+$0xFFFFFFD0];
	v12 =	vmul.f32 v9, v9  }
0x47: {  	v14 =	vld [tilespmem:s25+$0x20]  }
0x48: {  	v16 =	vld [tilespmem:s25+$0xFFFFFFC0];
	v15 =	vmul.f32 $1.984127010e-04, v12  }
0x49: {  	v20 =	vld [tilespmem:s25+$0xFFFFFFE0]  }
0x4a: {  	v17 =	vmul.f32 v10, v3;
	v15 =	vsub.f32 $8.333333770e-03, v15  }
0x4b: {  	v18 =	vmul.f32 v11, v1;
	v21 =	vmul.f32 v13, v1  }
0x4c: {  	v22 =	vmul.f32 v14, v2;
	v15 =	vmul.f32 v15, v12  }
0x4d: {  	v25 =	vmul.f32 v16, v0;
	v23 =	vmul.f32 v18, v18  }
0x4e: {  	v19 =	vmul.f32 v20, v6;
	v8 =	vmul.f32 v8, v4;
	v15 =	vadd.f32 $-1.666666720e-01, v15  }
0x4f: {  	v24 =	vmul.f32 v21, v21;
	v27 =	vmul.f32 $1.984127010e-04, v23  }
0x50: {  	v26 =	vmul.f32 v22, v22;
	v12 =	vmul.f32 v15, v12  }
0x51: {  	v20 =	vmul.f32 v20, v2;
	v27 =	vsub.f32 $8.333333770e-03, v27;
	v15 =	vmul.f32 $1.984127010e-04, v24  }
0x52: {  	s9 =	simm.s32 $0x12C40;
	v28 =	vmul.f32 v25, v25;
	v29 =	vmul.f32 $1.984127010e-04, v26;
	v12 =	vadd.f32 $1.000000000e+00, v12  }
0x53: {  	v31 =	vld [tilespmem:s9+$0x0];
	v11 =	vmul.f32 v11, v5;
	v27 =	vmul.f32 v27, v23;
	v15 =	vsub.f32 $8.333333770e-03, v15  }
0x54: {  	v30 =	vmul.f32 $1.984127010e-04, v28;
	v29 =	vsub.f32 $8.333333770e-03, v29;
	v9 =	vmul.f32 v12, v9  }
0x55: {  	v16 =	vmul.f32 v16, v4;
	v12 =	vmul.f32 v15, v24;
	v15 =	vadd.f32 $-1.666666720e-01, v27  }
0x56: {  	v30 =	vsub.f32 $8.333333770e-03, v30;
	v27 =	vmul.f32 v29, v26;
	v8 =	vadd.f32 v9, v8  }
0x57: {  	v9 =	vadd.f32 $-1.666666720e-01, v12;
	v12 =	vmul.f32 v15, v23;
	v15 =	vmul.f32 v17, v17  }
0x58: {  	v29 =	vmul.f32 v30, v28;
	v27 =	vadd.f32 $-1.666666720e-01, v27;
	v8 =	vadd.f32 v8, v31  }
0x59: {  	v9 =	vmul.f32 v9, v24;
	v24 =	vld [tilespmem:s25+$0xFFFFFFF0];
	v12 =	vadd.f32 $1.000000000e+00, v12;
	v30 =	vmul.f32 $1.984127010e-04, v15  }
0x5a: {  	v23 =	vmul.f32 v20, v20;
	v26 =	vmul.f32 v27, v26;
	[tilespmem:s25+$0x0] =	vst v8;
	v8 =	vadd.f32 $-1.666666720e-01, v29  }
0x5b: {  	v9 =	vadd.f32 $1.000000000e+00, v9;
	v12 =	vmul.f32 v12, v18;
	v27 =	vsub.f32 $8.333333770e-03, v30;
	v18 =	vld [tilespmem:s9+$0x10]  }
0x5c: {  	s28 =	simm.s32 $0x64C0;
	v31 =	vmul.f32 $1.984127010e-04, v23;
	v28 =	vmul.f32 v8, v28  }
0x5d: {  	v21 =	vmul.f32 v9, v21;
	v9 =	vadd.f32 $1.000000000e+00, v26;
	v26 =	vmul.f32 v27, v15;
	v27 =	vld [tilespmem:s28+$0x0]  }
0x5e: {  	v34 =	vld [tilespmem:s28+$0x30];
	v11 =	vadd.f32 v12, v11;
	v8 =	vmul.f32 v24, v3;
	v12 =	vadd.f32 $1.000000000e+00, v28  }
0x5f: {  	v29 =	vld [tilespmem:s9+$0xFFFFFFC0];
	v30 =	vmul.f32 v13, v5;
	v28 =	vmul.f32 v10, v7;
	v13 =	vadd.f32 $-1.666666720e-01, v26  }
0x60: {  	v10 =	vld [tilespmem:s28+$0x20];
	v26 =	vmul.f32 v8, v8;
	v11 =	vadd.f32 v11, v18;
	v12 =	vmul.f32 v12, v25  }
0x61: {  	v18 =	vmul.f32 v9, v22;
	v22 =	vld [tilespmem:s28+$0x10];
	v9 =	vsub.f32 $8.333333770e-03, v31;
	v15 =	vmul.f32 v13, v15  }
0x62: {  	v25 =	vmul.f32 v14, v6;
	v13 =	vld [tilespmem:s28+$0xFFFFFFD0];
	v32 =	vmul.f32 v27, v0  }
0x63: {  	v31 =	vld [tilespmem:s28+$0xFFFFFFE0];
	v27 =	vmul.f32 v27, v4;
	v12 =	vadd.f32 v12, v16;
	v16 =	vmul.f32 v9, v23  }
0x64: {  	v15 =	vadd.f32 $1.000000000e+00, v15;
	v9 =	vmul.f32 v34, v3;
	v33 =	vmul.f32 v32, v32  }
0x65: {  	[tilespmem:s25+$0x10] =	vst v11;
	v14 =	vmul.f32 v10, v2;
	v11 =	vadd.f32 v12, v29;
	v12 =	vmul.f32 $1.984127010e-04, v26  }
0x66: {  	v29 =	vld [tilespmem:s9+$0x20];
	v16 =	vadd.f32 $-1.666666720e-01, v16;
	v15 =	vmul.f32 v15, v17;
	v35 =	vmul.f32 v22, v1  }
0x67: {  	v18 =	vadd.f32 v18, v25;
	v17 =	vmul.f32 $1.984127010e-04, v33;
	v37 =	vmul.f32 v13, v1  }
0x68: {  	[tilespmem:s25+$0xFFFFFFC0] =	vst v11;
	v36 =	vsub.f32 $8.333333770e-03, v12;
	v23 =	vmul.f32 v16, v23;
	v16 =	vld [tilespmem:s28+$0xFFFFFFC0];
	v11 =	vmul.f32 v31, v6  }
0x69: {  	v12 =	vmul.f32 v31, v2;
	v31 =	vmul.f32 v14, v14;
	v17 =	vsub.f32 $8.333333770e-03, v17  }
0x6a: {  	v21 =	vadd.f32 v21, v30;
	v30 =	vld [tilespmem:s9+$0xFFFFFFD0];
	v25 =	vmul.f32 v37, v37;
	v38 =	vmul.f32 v35, v35  }
0x6b: {  	v23 =	vadd.f32 $1.000000000e+00, v23;
	v18 =	vadd.f32 v18, v29;
	v29 =	vmul.f32 v17, v33  }
0x6c: {  	v15 =	vadd.f32 v15, v28;
	v28 =	vmul.f32 $1.984127010e-04, v25;
	v39 =	vmul.f32 $1.984127010e-04, v38  }
0x6d: {  	v60 =	vmul.f32 v23, v20;
	[tilespmem:s25+$0x20] =	vst v18;
	v17 =	vmul.f32 v16, v0;
	v18 =	vadd.f32 $-1.666666720e-01, v29  }
0x6e: {  	v29 =	vmul.f32 $1.984127010e-04, v31;
	v28 =	vsub.f32 $8.333333770e-03, v28;
	v59 =	vsub.f32 $8.333333770e-03, v39  }
0x6f: {  	v21 =	vadd.f32 v21, v30;
	v30 =	vmul.f32 v36, v26;
	v58 =	vld [tilespmem:s9+$0x30];
	v18 =	vmul.f32 v18, v33  }
0x70: {  	v40 =	vmul.f32 v17, v17;
	v29 =	vsub.f32 $8.333333770e-03, v29;
	v28 =	vmul.f32 v28, v25  }
0x71: {  	s8 =	simm.s32 $0x12CC0;
	v33 =	vmul.f32 v59, v38;
	v30 =	vadd.f32 $-1.666666720e-01, v30;
	v18 =	vadd.f32 $1.000000000e+00, v18  }
0x72: {  	v20 =	vmul.f32 $1.984127010e-04, v40;
	v23 =	vmul.f32 v29, v31;
	v28 =	vadd.f32 $-1.666666720e-01, v28;
	v29 =	vld [tilespmem:s8+$0x0]  }
0x73: {  	v19 =	vadd.f32 v60, v19;
	v30 =	vmul.f32 v30, v26;
	v32 =	vmul.f32 v18, v32  }
0x74: {  	[tilespmem:s25+$0xFFFFFFD0] =	vst v21;
	v36 =	vadd.f32 v15, v58;
	v15 =	vsub.f32 $8.333333770e-03, v20;
	v21 =	vmul.f32 v28, v25  }
0x75: {  	v25 =	vadd.f32 $-1.666666720e-01, v33;
	v20 =	vmul.f32 v24, v7;
	v24 =	vld [tilespmem:s9+$0xFFFFFFE0];
	v27 =	vadd.f32 v32, v27  }
0x76: {  	v18 =	vmul.f32 v12, v12;
	v61 =	vadd.f32 $-1.666666720e-01, v23;
	v23 =	vmul.f32 v9, v9  }
0x77: {  	v28 =	vmul.f32 v15, v40;
	v25 =	vmul.f32 v25, v38;
	v15 =	vld [tilespmem:s28+$0xFFFFFFF0];
	v29 =	vadd.f32 v27, v29  }
0x78: {  	v26 =	vmul.f32 $1.984127010e-04, v18;
	v31 =	vmul.f32 v61, v31;
	v21 =	vadd.f32 $1.000000000e+00, v21  }
0x79: {  	v62 =	vmul.f32 $1.984127010e-04, v23;
	v25 =	vadd.f32 $1.000000000e+00, v25;
	v27 =	vadd.f32 $1.000000000e+00, v30;
	[tilespmem:s28+$0x0] =	vst v29  }
0x7a: {  	v28 =	vadd.f32 $-1.666666720e-01, v28;
	v19 =	vadd.f32 v19, v24;
	v24 =	vmul.f32 v21, v37;
	v30 =	vld [tilespmem:s8+$0x10]  }
0x7b: {  	v63 =	vsub.f32 $8.333333770e-03, v62;
	v21 =	vmul.f32 v22, v5;
	v35 =	vmul.f32 v25, v35  }
0x7c: {  	v22 =	vadd.f32 $1.000000000e+00, v31;
	v33 =	vmul.f32 v28, v40;
	v29 =	vld [tilespmem:s8+$0xFFFFFFC0];
	v25 =	vmul.f32 v15, v3;
	[tilespmem:s25+$0xFFFFFFE0] =	vst v19  }
0x7d: {  	s12 =	simm.s32 $0x2;
	s20 =	simm.s32 $0x6540;
	[tilespmem:s25+$0x30] =	vst v36;
	v31 =	vmul.f32 v63, v23;
	v32 =	vadd.f32 v35, v21;
	v21 =	vmul.f32 v34, v7;
	v28 =	vld [tilespmem:s9+$0xFFFFFFF0];
	s9 =	simm.s32 $0x12CC0  }
.LBB2_3:
0x7e: {  	v34 =	vld [tilespmem:s20+$0x0];
	s12 =	sadd.s32 $0x2, s12;
	v33 =	vadd.f32 $1.000000000e+00, v33;
	v35 =	vmul.f32 v13, v5;
	v13 =	vmul.f32 v27, v8;
	v8 =	vmovc v25  }
0x7f: {  	v19 =	vld [tilespmem:s20+$0x30];
	p0 =	slt.u32 s12, $0xC6;
	v27 =	vadd.f32 v32, v30;
	v30 =	vmul.f32 v22, v14;
	v14 =	vadd.f32 $-1.666666720e-01, v31  }
0x80: {  	v16 =	vmul.f32 v16, v4;
	v31 =	vld [tilespmem:s20+$0x20];
	v17 =	vmul.f32 v33, v17;
	v20 =	vadd.f32 v13, v20  }
0x81: {  	v26 =	vsub.f32 $8.333333770e-03, v26;
	v22 =	vld [tilespmem:s20+$0x10];
	[tilespmem:s28+$0x10] =	vst v27;
	v27 =	vmul.f32 v10, v6;
	v10 =	vmul.f32 v14, v23  }
0x82: {  	v23 =	vmul.f32 v25, v8;
	v13 =	vld [tilespmem:s20+$0xFFFFFFD0];
	v14 =	vadd.f32 v17, v16;
	v16 =	vadd.f32 v20, v28  }
0x83: {  	v25 =	vmul.f32 v26, v18;
	v17 =	vld [tilespmem:s20+$0xFFFFFFE0];
	v20 =	vmul.f32 v34, v0;
	v26 =	vadd.f32 $1.000000000e+00, v10  }
0x84: {  	v32 =	vmul.f32 $1.984127010e-04, v23;
	v28 =	vmul.f32 v19, v3;
	v29 =	vadd.f32 v14, v29;
	v33 =	vld [tilespmem:s8+$0x20];
	[tilespmem:s25+$0xFFFFFFF0] =	vst v16;
	s25 =	smov.u32 s28;
	s28 =	smov.u32 s20  }
0x85: {  	v25 =	vadd.f32 $-1.666666720e-01, v25;
	v16 =	vld [tilespmem:s20+$0xFFFFFFC0];
	v36 =	vmul.f32 v20, v20;
	v14 =	vmul.f32 v31, v2;
	v10 =	vmovc v31  }
0x86: {  	v26 =	vmul.f32 v26, v9;
	v31 =	vmul.f32 v22, v1;
	[tilespmem:s25+$0xFFFFFFC0] =	vst v29;
	v29 =	vsub.f32 $8.333333770e-03, v32;
	v9 =	vmovc v28  }
0x87: {  	v24 =	vadd.f32 v24, v35;
	v18 =	vmul.f32 v25, v18;
	v32 =	vmul.f32 $1.984127010e-04, v36;
	v35 =	vld [tilespmem:s8+$0xFFFFFFD0]  }
0x88: {  	v27 =	vadd.f32 v30, v27;
	v25 =	vmul.f32 v13, v1;
	v37 =	vmul.f32 v17, v6  }
0x89: {  	v18 =	vadd.f32 $1.000000000e+00, v18;
	v30 =	vmul.f32 v17, v2;
	v17 =	vsub.f32 $8.333333770e-03, v32  }
0x8a: {  	v38 =	vmul.f32 v14, v14;
	v32 =	vmul.f32 v25, v25;
	v27 =	vadd.f32 v27, v33  }
0x8b: {  	v21 =	vadd.f32 v26, v21;
	v39 =	vmul.f32 v31, v31;
	v33 =	vmul.f32 v17, v36  }
0x8c: {  	v29 =	vmul.f32 v29, v23;
	v26 =	vmul.f32 $1.984127010e-04, v32;
	v24 =	vadd.f32 v24, v35;
	[tilespmem:s25+$0x20] =	vst v27  }
0x8d: {  	v17 =	vmul.f32 v16, v0;
	v27 =	vadd.f32 $-1.666666720e-01, v33;
	v33 =	vmul.f32 $1.984127010e-04, v38;
	v35 =	vld [tilespmem:s8+$0x30]  }
0x8e: {  	v34 =	vmul.f32 v34, v4;
	v40 =	vmul.f32 $1.984127010e-04, v39;
	v26 =	vsub.f32 $8.333333770e-03, v26;
	[tilespmem:s25+$0xFFFFFFD0] =	vst v24  }
0x8f: {  	v41 =	vmul.f32 v17, v17;
	v24 =	vmul.f32 v27, v36;
	v27 =	vsub.f32 $8.333333770e-03, v33;
	v33 =	vld [tilespmem:s8+$0xFFFFFFE0]  }
0x90: {  	v26 =	vmul.f32 v26, v32;
	v36 =	vsub.f32 $8.333333770e-03, v40;
	v40 =	vmul.f32 v18, v12;
	v12 =	vmovc v30  }
0x91: {  	v18 =	vmul.f32 $1.984127010e-04, v41;
	s8 =	sadd.s32 $0x80, s8;
	v24 =	vadd.f32 $1.000000000e+00, v24;
	v27 =	vmul.f32 v27, v38  }
0x92: {  	v26 =	vadd.f32 $-1.666666720e-01, v26;
	v36 =	vmul.f32 v36, v39;
	v42 =	vld [tilespmem:s8+$0x0];
	v21 =	vadd.f32 v21, v35  }
0x93: {  	v29 =	vadd.f32 $-1.666666720e-01, v29;
	v18 =	vsub.f32 $8.333333770e-03, v18;
	v24 =	vmul.f32 v24, v20  }
0x94: {  	v32 =	vmul.f32 v26, v32;
	v26 =	vadd.f32 $-1.666666720e-01, v36;
	v20 =	vmul.f32 v15, v7  }
0x95: {  	v35 =	vmul.f32 v18, v41;
	v18 =	vmul.f32 v30, v12;
	v24 =	vadd.f32 v24, v34  }
0x96: {  	v29 =	vmul.f32 v29, v23;
	v27 =	vadd.f32 $-1.666666720e-01, v27;
	v30 =	vmul.f32 v26, v39  }
0x97: {  	v23 =	vmul.f32 v28, v9;
	v26 =	vmul.f32 $1.984127010e-04, v18;
	v15 =	vld [tilespmem:s20+$0xFFFFFFF0];
	v24 =	vadd.f32 v24, v42  }
0x98: {  	v36 =	vadd.f32 v40, v11;
	v11 =	vmovc v37;
	v34 =	vmul.f32 v27, v38;
	v28 =	vadd.f32 $1.000000000e+00, v30;
	[tilespmem:s25+$0x30] =	vst v21  }
.Ltmp2:
0x99: {  	v27 =	vadd.f32 $1.000000000e+00, v29;
	v21 =	vadd.f32 $1.000000000e+00, v32;
	v32 =	vmul.f32 $1.984127010e-04, v23;
	[tilespmem:s20+$0x0] =	vst v24;
	(pc) =	sbr.rel @p0 .LBB2_3-.Ltmp2, $4  }
0x9a: {  	v29 =	vadd.f32 $-1.666666720e-01, v35;
	v28 =	vmul.f32 v28, v31;
	v31 =	vadd.f32 v36, v33;
	v30 =	vld [tilespmem:s8+$0x10]  }
0x9b: {  	v24 =	vmul.f32 v21, v25;
	v21 =	vmul.f32 v22, v5;
	v35 =	vsub.f32 $8.333333770e-03, v32  }
0x9c: {  	v33 =	vmul.f32 v29, v41;
	v22 =	vadd.f32 $1.000000000e+00, v34;
	v29 =	vld [tilespmem:s8+$0xFFFFFFC0];
	v25 =	vmul.f32 v15, v3;
	[tilespmem:s25+$0xFFFFFFE0] =	vst v31  }
0x9d: {  	s20 =	sadd.s32 $0x80, s20;
	v32 =	vadd.f32 v28, v21;
	v31 =	vmul.f32 v35, v23;
	v21 =	vmul.f32 v19, v7;
	v28 =	vld [tilespmem:s9+$0xFFFFFFF0];
	s9 =	smov.u32 s8  }
0x9e: {  	v19 =	vadd.f32 $1.000000000e+00, v33;
	_ =	sdelay $0x1  }
0x9f: {  	v16 =	vmul.f32 v16, v4;
	v17 =	vmul.f32 v19, v17;
	_ =	sdelay $0x1  }
0xa0: {  	v16 =	vadd.f32 v17, v16;
	_ =	sdelay $0x1  }
0xa1: {  	v16 =	vadd.f32 v16, v29;
	_ =	sdelay $0x1  }
0xa2: {  	v17 =	vsub.f32 $8.333333770e-03, v26;
	[tilespmem:s28+$0xFFFFFFC0] =	vst v16  }
0xa3: {  	v16 =	vld [tilespmem:s8+$0xFFFFFFD0]  }
0xa4: {  	v13 =	vmul.f32 v13, v5;
	v17 =	vmul.f32 v17, v18;
	_ =	sdelay $0x1  }
0xa5: {  	v19 =	vmul.f32 v25, v25;
	v13 =	vadd.f32 v24, v13;
	v17 =	vadd.f32 $-1.666666720e-01, v17  }
0xa6: {  	v24 =	vadd.f32 v32, v30  }
0xa7: {  	v26 =	vmul.f32 $1.984127010e-04, v19;
	v17 =	vmul.f32 v17, v18;
	v13 =	vadd.f32 v13, v16  }
0xa8: {  	[tilespmem:s28+$0x10] =	vst v24  }
0xa9: {  	v18 =	vsub.f32 $8.333333770e-03, v26;
	v17 =	vadd.f32 $1.000000000e+00, v17;
	v16 =	vld [tilespmem:s8+$0x20];
	[tilespmem:s28+$0xFFFFFFD0] =	vst v13  }
0xaa: {  	v10 =	vmul.f32 v10, v6;
	v13 =	vmul.f32 v22, v14;
	v14 =	vld [tilespmem:s8+$0xFFFFFFE0]  }
0xab: {  	v18 =	vmul.f32 v18, v19;
	v12 =	vmul.f32 v17, v12  }
0xac: {  	v17 =	vadd.f32 $-1.666666720e-01, v31;
	v10 =	vadd.f32 v13, v10  }
0xad: {  	v11 =	vadd.f32 v12, v11;
	v13 =	vadd.f32 $-1.666666720e-01, v18  }
0xae: {  	v12 =	vmul.f32 v17, v23;
	v10 =	vadd.f32 v10, v16  }
0xaf: {  	v13 =	vmul.f32 v13, v19;
	v11 =	vadd.f32 v11, v14  }
0xb0: {  	v12 =	vadd.f32 $1.000000000e+00, v12;
	[tilespmem:s28+$0x20] =	vst v10  }
0xb1: {  	v8 =	vmul.f32 v27, v8;
	v13 =	vadd.f32 $1.000000000e+00, v13;
	v10 =	vld [tilespmem:s8+$0x30];
	[tilespmem:s28+$0xFFFFFFE0] =	vst v11  }
0xb2: {  	v9 =	vmul.f32 v12, v9;
	v11 =	vld [tilespmem:s9+$0xFFFFFFF0]  }
0xb3: {  	v8 =	vadd.f32 v8, v20;
	v12 =	vmul.f32 v15, v7;
	v13 =	vmul.f32 v13, v25  }
0xb4: {  	v9 =	vadd.f32 v9, v21  }
0xb5: {  	s24 =	smul.u32 $0x320, s23;
	v8 =	vadd.f32 v8, v28;
	v12 =	vadd.f32 v13, v12  }
0xb6: {  	v9 =	vadd.f32 v9, v10  }
0xb7: {  	s13 =	sadd.s32 s6, s24;
	[tilespmem:s25+$0xFFFFFFF0] =	vst v8;
	v8 =	vadd.f32 v12, v11  }
0xb8: {  	s8 =	sshll.u32 s13, $0x3;
	[tilespmem:s28+$0x30] =	vst v9  }
0xb9: {  	p0 =	seq.s32 s23, $0x0;
	s8 =	sadd.s32 s4, s8;
	[tilespmem:s28+$0xFFFFFFF0] =	vst v8  }
0xba: {  	[hbm4b:s8+s5] =	stream.linear.scatter [tilespmem:s18], [sflag:$0x5], $0x3200, $0x38;
	[tilespmem:$0x15E80] =	vst v63  }
0xbb: {  	s8 =	simm.s32 @!p0 $0x8  }
0xbc: {  	_ =	swait.ge @!p0 [sflag:s8], $0x3200  }
0xbd: {  	[sflag:s8] =	ssyncset.done @!p0 $0x0  }
0xbe: {  	s25 =	sadd.s32 $0x258, s24;
	[sflag:s8] =	ssyncadd.s32 @!p0 $0xFFFFCE00  }
0xbf: {  	[tilespmem:s31], [sflag:$0x4] =	stream.indirect.gather [hbm4b:s7+s17], $0x40, s25, s17, $0xb8;
	[tilespmem:$0x15E80] =	vst v63  }
0xc0: {  	s20 =	sadd.s32 $0x2D8, s24  }
0xc1: {  	[tilespmem:s2], [sflag:$0x4] =	stream.indirect.gather [hbm4b:s7+s19], $0x40, s20, s19, $0xb8;
	[tilespmem:$0x15E80] =	vst v63  }
0xc2: {  	_ =	swait.ge [sflag:s0], $0x2000  }
0xc3: {  	[sflag:s0] =	ssyncset.done $0x0  }
0xc4: {  	[sflag:s0] =	ssyncadd.s32 $0xFFFFE000  }
0xc5: {  	_ =	swait.ge [sflag:s0], $0x1200  }
0xc6: {  	[sflag:s0] =	ssyncset.done $0x0  }
0xc7: {  	s28 =	simm.s32 $0x9640;
	[sflag:s0] =	ssyncadd.s32 $0xFFFFEE00  }
0xc8: {  	v8 =	vld [tilespmem:s28+$0x0];
	_ =	sdelay $0x4  }
0xc9: {  	v10 =	vld [tilespmem:s28+$0x30];
	v9 =	vmul.f32 v8, v0  }
0xca: {  	v11 =	vld [tilespmem:s28+$0x10]  }
0xcb: {  	v13 =	vld [tilespmem:s28+$0xFFFFFFD0];
	v12 =	vmul.f32 v9, v9  }
0xcc: {  	v14 =	vld [tilespmem:s28+$0x20]  }
0xcd: {  	v16 =	vld [tilespmem:s28+$0xFFFFFFC0];
	v15 =	vmul.f32 $1.984127010e-04, v12  }
0xce: {  	v20 =	vld [tilespmem:s28+$0xFFFFFFE0]  }
0xcf: {  	v17 =	vmul.f32 v10, v3;
	v15 =	vsub.f32 $8.333333770e-03, v15  }
0xd0: {  	v18 =	vmul.f32 v11, v1;
	v21 =	vmul.f32 v13, v1  }
0xd1: {  	v22 =	vmul.f32 v14, v2;
	v15 =	vmul.f32 v15, v12  }
0xd2: {  	v25 =	vmul.f32 v16, v0;
	v23 =	vmul.f32 v18, v18  }
0xd3: {  	v19 =	vmul.f32 v20, v6;
	v8 =	vmul.f32 v8, v4;
	v15 =	vadd.f32 $-1.666666720e-01, v15  }
0xd4: {  	v24 =	vmul.f32 v21, v21;
	v27 =	vmul.f32 $1.984127010e-04, v23  }
0xd5: {  	v26 =	vmul.f32 v22, v22;
	v12 =	vmul.f32 v15, v12  }
0xd6: {  	v20 =	vmul.f32 v20, v2;
	v27 =	vsub.f32 $8.333333770e-03, v27;
	v15 =	vmul.f32 $1.984127010e-04, v24  }
0xd7: {  	s12 =	simm.s32 $0x12C40;
	v28 =	vmul.f32 v25, v25;
	v29 =	vmul.f32 $1.984127010e-04, v26;
	v12 =	vadd.f32 $1.000000000e+00, v12  }
0xd8: {  	v31 =	vld [tilespmem:s12+$0x0];
	v11 =	vmul.f32 v11, v5;
	v27 =	vmul.f32 v27, v23;
	v15 =	vsub.f32 $8.333333770e-03, v15  }
0xd9: {  	v30 =	vmul.f32 $1.984127010e-04, v28;
	v29 =	vsub.f32 $8.333333770e-03, v29;
	v9 =	vmul.f32 v12, v9  }
0xda: {  	v16 =	vmul.f32 v16, v4;
	v12 =	vmul.f32 v15, v24;
	v15 =	vadd.f32 $-1.666666720e-01, v27  }
0xdb: {  	v30 =	vsub.f32 $8.333333770e-03, v30;
	v27 =	vmul.f32 v29, v26;
	v8 =	vadd.f32 v9, v8  }
0xdc: {  	v9 =	vadd.f32 $-1.666666720e-01, v12;
	v12 =	vmul.f32 v15, v23;
	v15 =	vmul.f32 v17, v17  }
0xdd: {  	v29 =	vmul.f32 v30, v28;
	v27 =	vadd.f32 $-1.666666720e-01, v27;
	v8 =	vadd.f32 v8, v31  }
0xde: {  	v9 =	vmul.f32 v9, v24;
	v24 =	vld [tilespmem:s28+$0xFFFFFFF0];
	v12 =	vadd.f32 $1.000000000e+00, v12;
	v30 =	vmul.f32 $1.984127010e-04, v15  }
0xdf: {  	v23 =	vmul.f32 v20, v20;
	v26 =	vmul.f32 v27, v26;
	[tilespmem:s28+$0x0] =	vst v8;
	v8 =	vadd.f32 $-1.666666720e-01, v29  }
0xe0: {  	v9 =	vadd.f32 $1.000000000e+00, v9;
	v12 =	vmul.f32 v12, v18;
	v27 =	vsub.f32 $8.333333770e-03, v30;
	v18 =	vld [tilespmem:s12+$0x10]  }
0xe1: {  	s8 =	simm.s32 $0x96C0;
	v31 =	vmul.f32 $1.984127010e-04, v23;
	v28 =	vmul.f32 v8, v28  }
0xe2: {  	v21 =	vmul.f32 v9, v21;
	v9 =	vadd.f32 $1.000000000e+00, v26;
	v26 =	vmul.f32 v27, v15;
	v27 =	vld [tilespmem:s8+$0x0]  }
0xe3: {  	v34 =	vld [tilespmem:s8+$0x30];
	v11 =	vadd.f32 v12, v11;
	v8 =	vmul.f32 v24, v3;
	v12 =	vadd.f32 $1.000000000e+00, v28  }
0xe4: {  	v29 =	vld [tilespmem:s12+$0xFFFFFFC0];
	v30 =	vmul.f32 v13, v5;
	v28 =	vmul.f32 v10, v7;
	v13 =	vadd.f32 $-1.666666720e-01, v26  }
0xe5: {  	v10 =	vld [tilespmem:s8+$0x20];
	v26 =	vmul.f32 v8, v8;
	v11 =	vadd.f32 v11, v18;
	v12 =	vmul.f32 v12, v25  }
0xe6: {  	v18 =	vmul.f32 v9, v22;
	v22 =	vld [tilespmem:s8+$0x10];
	v9 =	vsub.f32 $8.333333770e-03, v31;
	v15 =	vmul.f32 v13, v15  }
0xe7: {  	v25 =	vmul.f32 v14, v6;
	v13 =	vld [tilespmem:s8+$0xFFFFFFD0];
	v56 =	vmul.f32 v27, v0  }
0xe8: {  	v31 =	vld [tilespmem:s8+$0xFFFFFFE0];
	v27 =	vmul.f32 v27, v4;
	v12 =	vadd.f32 v12, v16;
	v16 =	vmul.f32 v9, v23  }
0xe9: {  	v15 =	vadd.f32 $1.000000000e+00, v15;
	v9 =	vmul.f32 v34, v3;
	v57 =	vmul.f32 v56, v56  }
0xea: {  	[tilespmem:s28+$0x10] =	vst v11;
	v14 =	vmul.f32 v10, v2;
	v11 =	vadd.f32 v12, v29;
	v12 =	vmul.f32 $1.984127010e-04, v26  }
0xeb: {  	v29 =	vld [tilespmem:s12+$0x20];
	v16 =	vadd.f32 $-1.666666720e-01, v16;
	v15 =	vmul.f32 v15, v17;
	v35 =	vmul.f32 v22, v1  }
0xec: {  	v18 =	vadd.f32 v18, v25;
	v17 =	vmul.f32 $1.984127010e-04, v57;
	v37 =	vmul.f32 v13, v1  }
0xed: {  	[tilespmem:s28+$0xFFFFFFC0] =	vst v11;
	v36 =	vsub.f32 $8.333333770e-03, v12;
	v23 =	vmul.f32 v16, v23;
	v16 =	vld [tilespmem:s8+$0xFFFFFFC0];
	v11 =	vmul.f32 v31, v6  }
0xee: {  	v12 =	vmul.f32 v31, v2;
	v31 =	vmul.f32 v14, v14;
	v17 =	vsub.f32 $8.333333770e-03, v17  }
0xef: {  	v21 =	vadd.f32 v21, v30;
	v30 =	vld [tilespmem:s12+$0xFFFFFFD0];
	v25 =	vmul.f32 v37, v37;
	v38 =	vmul.f32 v35, v35  }
0xf0: {  	v23 =	vadd.f32 $1.000000000e+00, v23;
	v18 =	vadd.f32 v18, v29;
	v29 =	vmul.f32 v17, v57  }
0xf1: {  	v15 =	vadd.f32 v15, v28;
	v28 =	vmul.f32 $1.984127010e-04, v25;
	v39 =	vmul.f32 $1.984127010e-04, v38  }
0xf2: {  	v60 =	vmul.f32 v23, v20;
	[tilespmem:s28+$0x20] =	vst v18;
	v17 =	vmul.f32 v16, v0;
	v18 =	vadd.f32 $-1.666666720e-01, v29  }
0xf3: {  	v29 =	vmul.f32 $1.984127010e-04, v31;
	v28 =	vsub.f32 $8.333333770e-03, v28;
	v59 =	vsub.f32 $8.333333770e-03, v39  }
0xf4: {  	v21 =	vadd.f32 v21, v30;
	v30 =	vmul.f32 v36, v26;
	v58 =	vld [tilespmem:s12+$0x30];
	v18 =	vmul.f32 v18, v57  }
0xf5: {  	v40 =	vmul.f32 v17, v17;
	v29 =	vsub.f32 $8.333333770e-03, v29;
	v28 =	vmul.f32 v28, v25  }
0xf6: {  	s9 =	simm.s32 $0x12CC0;
	v33 =	vmul.f32 v59, v38;
	v30 =	vadd.f32 $-1.666666720e-01, v30;
	v18 =	vadd.f32 $1.000000000e+00, v18  }
0xf7: {  	v20 =	vmul.f32 $1.984127010e-04, v40;
	v23 =	vmul.f32 v29, v31;
	v28 =	vadd.f32 $-1.666666720e-01, v28;
	v29 =	vld [tilespmem:s9+$0x0]  }
0xf8: {  	v19 =	vadd.f32 v60, v19;
	v30 =	vmul.f32 v30, v26;
	v32 =	vmul.f32 v18, v56  }
0xf9: {  	[tilespmem:s28+$0xFFFFFFD0] =	vst v21;
	v36 =	vadd.f32 v15, v58;
	v15 =	vsub.f32 $8.333333770e-03, v20;
	v21 =	vmul.f32 v28, v25  }
0xfa: {  	v25 =	vadd.f32 $-1.666666720e-01, v33;
	v20 =	vmul.f32 v24, v7;
	v24 =	vld [tilespmem:s12+$0xFFFFFFE0];
	v27 =	vadd.f32 v32, v27  }
0xfb: {  	v18 =	vmul.f32 v12, v12;
	v61 =	vadd.f32 $-1.666666720e-01, v23;
	v23 =	vmul.f32 v9, v9  }
0xfc: {  	v28 =	vmul.f32 v15, v40;
	v25 =	vmul.f32 v25, v38;
	v15 =	vld [tilespmem:s8+$0xFFFFFFF0];
	v29 =	vadd.f32 v27, v29  }
0xfd: {  	v26 =	vmul.f32 $1.984127010e-04, v18;
	v31 =	vmul.f32 v61, v31;
	v21 =	vadd.f32 $1.000000000e+00, v21  }
0xfe: {  	v62 =	vmul.f32 $1.984127010e-04, v23;
	v25 =	vadd.f32 $1.000000000e+00, v25;
	v27 =	vadd.f32 $1.000000000e+00, v30;
	[tilespmem:s8+$0x0] =	vst v29  }
0xff: {  	v28 =	vadd.f32 $-1.666666720e-01, v28;
	v19 =	vadd.f32 v19, v24;
	v24 =	vmul.f32 v21, v37;
	v30 =	vld [tilespmem:s9+$0x10]  }
0x100: {  	v63 =	vsub.f32 $8.333333770e-03, v62;
	v21 =	vmul.f32 v22, v5;
	v35 =	vmul.f32 v25, v35  }
0x101: {  	v22 =	vadd.f32 $1.000000000e+00, v31;
	v33 =	vmul.f32 v28, v40;
	v29 =	vld [tilespmem:s9+$0xFFFFFFC0];
	v25 =	vmul.f32 v15, v3;
	[tilespmem:s28+$0xFFFFFFE0] =	vst v19  }
0x102: {  	s13 =	simm.s32 $0x9740;
	s20 =	simm.s32 $0x2;
	[tilespmem:s28+$0x30] =	vst v36;
	v31 =	vmul.f32 v63, v23;
	v32 =	vadd.f32 v35, v21;
	v21 =	vmul.f32 v34, v7;
	v28 =	vld [tilespmem:s12+$0xFFFFFFF0];
	s12 =	simm.s32 $0x12CC0  }
.LBB2_5:
0x103: {  	v34 =	vld [tilespmem:s13+$0x0];
	s20 =	sadd.s32 $0x2, s20;
	v33 =	vadd.f32 $1.000000000e+00, v33;
	v35 =	vmul.f32 v13, v5;
	v13 =	vmul.f32 v27, v8;
	v8 =	vmovc v25  }
0x104: {  	v19 =	vld [tilespmem:s13+$0x30];
	p0 =	slt.u32 s20, $0xC6;
	v27 =	vadd.f32 v32, v30;
	v30 =	vmul.f32 v22, v14;
	v14 =	vadd.f32 $-1.666666720e-01, v31  }
0x105: {  	v16 =	vmul.f32 v16, v4;
	v31 =	vld [tilespmem:s13+$0x20];
	v17 =	vmul.f32 v33, v17;
	v20 =	vadd.f32 v13, v20  }
0x106: {  	v26 =	vsub.f32 $8.333333770e-03, v26;
	v22 =	vld [tilespmem:s13+$0x10];
	[tilespmem:s8+$0x10] =	vst v27;
	v27 =	vmul.f32 v10, v6;
	v10 =	vmul.f32 v14, v23  }
0x107: {  	v23 =	vmul.f32 v25, v8;
	v13 =	vld [tilespmem:s13+$0xFFFFFFD0];
	v14 =	vadd.f32 v17, v16;
	v16 =	vadd.f32 v20, v28  }
0x108: {  	v25 =	vmul.f32 v26, v18;
	v17 =	vld [tilespmem:s13+$0xFFFFFFE0];
	v20 =	vmul.f32 v34, v0;
	v26 =	vadd.f32 $1.000000000e+00, v10  }
0x109: {  	v32 =	vmul.f32 $1.984127010e-04, v23;
	v28 =	vmul.f32 v19, v3;
	v29 =	vadd.f32 v14, v29;
	v33 =	vld [tilespmem:s9+$0x20];
	[tilespmem:s28+$0xFFFFFFF0] =	vst v16;
	s28 =	smov.u32 s8;
	s8 =	smov.u32 s13  }
0x10a: {  	v25 =	vadd.f32 $-1.666666720e-01, v25;
	v16 =	vld [tilespmem:s13+$0xFFFFFFC0];
	v36 =	vmul.f32 v20, v20;
	v14 =	vmul.f32 v31, v2;
	v10 =	vmovc v31  }
0x10b: {  	v26 =	vmul.f32 v26, v9;
	v31 =	vmul.f32 v22, v1;
	[tilespmem:s28+$0xFFFFFFC0] =	vst v29;
	v29 =	vsub.f32 $8.333333770e-03, v32;
	v9 =	vmovc v28  }
0x10c: {  	v24 =	vadd.f32 v24, v35;
	v18 =	vmul.f32 v25, v18;
	v32 =	vmul.f32 $1.984127010e-04, v36;
	v35 =	vld [tilespmem:s9+$0xFFFFFFD0]  }
0x10d: {  	v27 =	vadd.f32 v30, v27;
	v25 =	vmul.f32 v13, v1;
	v37 =	vmul.f32 v17, v6  }
0x10e: {  	v18 =	vadd.f32 $1.000000000e+00, v18;
	v30 =	vmul.f32 v17, v2;
	v17 =	vsub.f32 $8.333333770e-03, v32  }
0x10f: {  	v38 =	vmul.f32 v14, v14;
	v32 =	vmul.f32 v25, v25;
	v27 =	vadd.f32 v27, v33  }
0x110: {  	v21 =	vadd.f32 v26, v21;
	v39 =	vmul.f32 v31, v31;
	v33 =	vmul.f32 v17, v36  }
0x111: {  	v29 =	vmul.f32 v29, v23;
	v26 =	vmul.f32 $1.984127010e-04, v32;
	v24 =	vadd.f32 v24, v35;
	[tilespmem:s28+$0x20] =	vst v27  }
0x112: {  	v17 =	vmul.f32 v16, v0;
	v27 =	vadd.f32 $-1.666666720e-01, v33;
	v33 =	vmul.f32 $1.984127010e-04, v38;
	v35 =	vld [tilespmem:s9+$0x30]  }
0x113: {  	v34 =	vmul.f32 v34, v4;
	v40 =	vmul.f32 $1.984127010e-04, v39;
	v26 =	vsub.f32 $8.333333770e-03, v26;
	[tilespmem:s28+$0xFFFFFFD0] =	vst v24  }
0x114: {  	v41 =	vmul.f32 v17, v17;
	v24 =	vmul.f32 v27, v36;
	v27 =	vsub.f32 $8.333333770e-03, v33;
	v33 =	vld [tilespmem:s9+$0xFFFFFFE0]  }
0x115: {  	v26 =	vmul.f32 v26, v32;
	v36 =	vsub.f32 $8.333333770e-03, v40;
	v40 =	vmul.f32 v18, v12;
	v12 =	vmovc v30  }
0x116: {  	v18 =	vmul.f32 $1.984127010e-04, v41;
	s9 =	sadd.s32 $0x80, s9;
	v24 =	vadd.f32 $1.000000000e+00, v24;
	v27 =	vmul.f32 v27, v38  }
0x117: {  	v26 =	vadd.f32 $-1.666666720e-01, v26;
	v36 =	vmul.f32 v36, v39;
	v42 =	vld [tilespmem:s9+$0x0];
	v21 =	vadd.f32 v21, v35  }
0x118: {  	v29 =	vadd.f32 $-1.666666720e-01, v29;
	v18 =	vsub.f32 $8.333333770e-03, v18;
	v24 =	vmul.f32 v24, v20  }
0x119: {  	v32 =	vmul.f32 v26, v32;
	v26 =	vadd.f32 $-1.666666720e-01, v36;
	v20 =	vmul.f32 v15, v7  }
0x11a: {  	v35 =	vmul.f32 v18, v41;
	v18 =	vmul.f32 v30, v12;
	v24 =	vadd.f32 v24, v34  }
0x11b: {  	v29 =	vmul.f32 v29, v23;
	v27 =	vadd.f32 $-1.666666720e-01, v27;
	v30 =	vmul.f32 v26, v39  }
0x11c: {  	v23 =	vmul.f32 v28, v9;
	v26 =	vmul.f32 $1.984127010e-04, v18;
	v15 =	vld [tilespmem:s13+$0xFFFFFFF0];
	v24 =	vadd.f32 v24, v42  }
0x11d: {  	v36 =	vadd.f32 v40, v11;
	v11 =	vmovc v37;
	v34 =	vmul.f32 v27, v38;
	v28 =	vadd.f32 $1.000000000e+00, v30;
	[tilespmem:s28+$0x30] =	vst v21  }
.Ltmp3:
0x11e: {  	v27 =	vadd.f32 $1.000000000e+00, v29;
	v21 =	vadd.f32 $1.000000000e+00, v32;
	v32 =	vmul.f32 $1.984127010e-04, v23;
	[tilespmem:s13+$0x0] =	vst v24;
	(pc) =	sbr.rel @p0 .LBB2_5-.Ltmp3, $4  }
0x11f: {  	v29 =	vadd.f32 $-1.666666720e-01, v35;
	v28 =	vmul.f32 v28, v31;
	v31 =	vadd.f32 v36, v33;
	v30 =	vld [tilespmem:s9+$0x10]  }
0x120: {  	v24 =	vmul.f32 v21, v25;
	v21 =	vmul.f32 v22, v5;
	v35 =	vsub.f32 $8.333333770e-03, v32  }
0x121: {  	v33 =	vmul.f32 v29, v41;
	v22 =	vadd.f32 $1.000000000e+00, v34;
	v29 =	vld [tilespmem:s9+$0xFFFFFFC0];
	v25 =	vmul.f32 v15, v3;
	[tilespmem:s28+$0xFFFFFFE0] =	vst v31  }
0x122: {  	s13 =	sadd.s32 $0x80, s13;
	v32 =	vadd.f32 v28, v21;
	v31 =	vmul.f32 v35, v23;
	v21 =	vmul.f32 v19, v7;
	v28 =	vld [tilespmem:s12+$0xFFFFFFF0];
	s12 =	smov.u32 s9  }
0x123: {  	v19 =	vadd.f32 $1.000000000e+00, v33;
	_ =	sdelay $0x1  }
0x124: {  	v16 =	vmul.f32 v16, v4;
	v17 =	vmul.f32 v19, v17;
	_ =	sdelay $0x1  }
0x125: {  	v16 =	vadd.f32 v17, v16;
	_ =	sdelay $0x1  }
0x126: {  	v16 =	vadd.f32 v16, v29;
	_ =	sdelay $0x1  }
0x127: {  	v17 =	vsub.f32 $8.333333770e-03, v26;
	[tilespmem:s8+$0xFFFFFFC0] =	vst v16  }
0x128: {  	v16 =	vld [tilespmem:s9+$0xFFFFFFD0]  }
0x129: {  	v13 =	vmul.f32 v13, v5;
	v17 =	vmul.f32 v17, v18;
	_ =	sdelay $0x1  }
0x12a: {  	v19 =	vmul.f32 v25, v25;
	v13 =	vadd.f32 v24, v13;
	v17 =	vadd.f32 $-1.666666720e-01, v17  }
0x12b: {  	v24 =	vadd.f32 v32, v30  }
0x12c: {  	v26 =	vmul.f32 $1.984127010e-04, v19;
	v17 =	vmul.f32 v17, v18;
	v13 =	vadd.f32 v13, v16  }
0x12d: {  	[tilespmem:s8+$0x10] =	vst v24  }
0x12e: {  	v18 =	vsub.f32 $8.333333770e-03, v26;
	v17 =	vadd.f32 $1.000000000e+00, v17;
	v16 =	vld [tilespmem:s9+$0x20];
	[tilespmem:s8+$0xFFFFFFD0] =	vst v13  }
0x12f: {  	v10 =	vmul.f32 v10, v6;
	v13 =	vmul.f32 v22, v14;
	v14 =	vld [tilespmem:s9+$0xFFFFFFE0]  }
0x130: {  	v18 =	vmul.f32 v18, v19;
	v12 =	vmul.f32 v17, v12  }
0x131: {  	v17 =	vadd.f32 $-1.666666720e-01, v31;
	v10 =	vadd.f32 v13, v10  }
0x132: {  	v11 =	vadd.f32 v12, v11;
	v13 =	vadd.f32 $-1.666666720e-01, v18  }
0x133: {  	v12 =	vmul.f32 v17, v23;
	v10 =	vadd.f32 v10, v16  }
0x134: {  	v13 =	vmul.f32 v13, v19;
	v11 =	vadd.f32 v11, v14  }
0x135: {  	v12 =	vadd.f32 $1.000000000e+00, v12;
	[tilespmem:s8+$0x20] =	vst v10  }
0x136: {  	v8 =	vmul.f32 v27, v8;
	v13 =	vadd.f32 $1.000000000e+00, v13;
	v10 =	vld [tilespmem:s9+$0x30];
	[tilespmem:s8+$0xFFFFFFE0] =	vst v11  }
0x137: {  	v9 =	vmul.f32 v12, v9;
	v11 =	vld [tilespmem:s12+$0xFFFFFFF0]  }
0x138: {  	v8 =	vadd.f32 v8, v20;
	v12 =	vmul.f32 v15, v7;
	v13 =	vmul.f32 v13, v25  }
0x139: {  	v9 =	vadd.f32 v9, v21  }
0x13a: {  	v8 =	vadd.f32 v8, v28;
	v12 =	vadd.f32 v13, v12  }
0x13b: {  	s13 =	sadd.s32 s24, s10;
	v9 =	vadd.f32 v9, v10  }
0x13c: {  	[tilespmem:s28+$0xFFFFFFF0] =	vst v8;
	s9 =	sshll.u32 s13, $0x3;
	v8 =	vadd.f32 v12, v11  }
0x13d: {  	s9 =	sand.u32 $0x1FFFFF40, s9;
	[tilespmem:s8+$0x30] =	vst v9  }
0x13e: {  	s20 =	sadd.s32 s4, s9;
	[tilespmem:s8+$0xFFFFFFF0] =	vst v8  }
0x13f: {  	[hbm4b:s20+s5] =	stream.linear.scatter [tilespmem:s22], [sflag:$0x6], $0x3200, $0x38;
	[tilespmem:$0x15E80] =	vst v63  }
0x140: {  	p0 =	seq.s32 s23, $0x1F;
	_ =	swait.ge [sflag:s1], $0x3200  }
0x141: {  	s9 =	simm.s32 @!p0 $0x80;
	[sflag:s1] =	ssyncset.done $0x0  }
0x142: {  	s12 =	simm.s32 @!p0 $0x6400;
	s8 =	sadd.s32 @!p0 $0x320, s24;
	[sflag:s1] =	ssyncadd.s32 $0xFFFFCE00  }
0x143: {  	[tilespmem:s12], [sflag:$0x1] =	stream.indirect.gather @!p0 [hbm4b:s7+s9], $0x40, s8, s9, $0xb8;
	[tilespmem:$0x15E80] =	vst v63  }
0x144: {  	s8 =	sadd.s32 @!p0 $0x3A0, s24;
	s9 =	simm.s32 @!p0 $0x48;
	s12 =	simm.s32 @!p0 $0x8400  }
0x145: {  	[tilespmem:s12], [sflag:$0x1] =	stream.indirect.gather @!p0 [hbm4b:s7+s9], $0x40, s8, s9, $0xb8;
	[tilespmem:$0x15E80] =	vst v63  }
0x146: {  	_ =	swait.ge [sflag:s3], $0x2000  }
0x147: {  	[sflag:s3] =	ssyncset.done $0x0  }
0x148: {  	[sflag:s3] =	ssyncadd.s32 $0xFFFFE000  }
0x149: {  	_ =	swait.ge [sflag:s3], $0x1200  }
0x14a: {  	[sflag:s3] =	ssyncset.done $0x0  }
0x14b: {  	s28 =	simm.s32 $0xC840;
	[sflag:s3] =	ssyncadd.s32 $0xFFFFEE00  }
0x14c: {  	v8 =	vld [tilespmem:s28+$0x0];
	_ =	sdelay $0x4  }
0x14d: {  	v10 =	vld [tilespmem:s28+$0x30];
	v9 =	vmul.f32 v8, v0  }
0x14e: {  	v11 =	vld [tilespmem:s28+$0x10]  }
0x14f: {  	v13 =	vld [tilespmem:s28+$0xFFFFFFD0];
	v12 =	vmul.f32 v9, v9  }
0x150: {  	v14 =	vld [tilespmem:s28+$0x20]  }
0x151: {  	v16 =	vld [tilespmem:s28+$0xFFFFFFC0];
	v15 =	vmul.f32 $1.984127010e-04, v12  }
0x152: {  	v20 =	vld [tilespmem:s28+$0xFFFFFFE0]  }
0x153: {  	v17 =	vmul.f32 v10, v3;
	v15 =	vsub.f32 $8.333333770e-03, v15  }
0x154: {  	v18 =	vmul.f32 v11, v1;
	v21 =	vmul.f32 v13, v1  }
0x155: {  	v22 =	vmul.f32 v14, v2;
	v15 =	vmul.f32 v15, v12  }
0x156: {  	v25 =	vmul.f32 v16, v0;
	v23 =	vmul.f32 v18, v18  }
0x157: {  	v19 =	vmul.f32 v20, v6;
	v8 =	vmul.f32 v8, v4;
	v15 =	vadd.f32 $-1.666666720e-01, v15  }
0x158: {  	v24 =	vmul.f32 v21, v21;
	v27 =	vmul.f32 $1.984127010e-04, v23  }
0x159: {  	v26 =	vmul.f32 v22, v22;
	v12 =	vmul.f32 v15, v12  }
0x15a: {  	v20 =	vmul.f32 v20, v2;
	v27 =	vsub.f32 $8.333333770e-03, v27;
	v15 =	vmul.f32 $1.984127010e-04, v24  }
0x15b: {  	s12 =	simm.s32 $0x12C40;
	v28 =	vmul.f32 v25, v25;
	v29 =	vmul.f32 $1.984127010e-04, v26;
	v12 =	vadd.f32 $1.000000000e+00, v12  }
0x15c: {  	v31 =	vld [tilespmem:s12+$0x0];
	v11 =	vmul.f32 v11, v5;
	v27 =	vmul.f32 v27, v23;
	v15 =	vsub.f32 $8.333333770e-03, v15  }
0x15d: {  	v30 =	vmul.f32 $1.984127010e-04, v28;
	v29 =	vsub.f32 $8.333333770e-03, v29;
	v9 =	vmul.f32 v12, v9  }
0x15e: {  	v16 =	vmul.f32 v16, v4;
	v12 =	vmul.f32 v15, v24;
	v15 =	vadd.f32 $-1.666666720e-01, v27  }
0x15f: {  	v30 =	vsub.f32 $8.333333770e-03, v30;
	v27 =	vmul.f32 v29, v26;
	v8 =	vadd.f32 v9, v8  }
0x160: {  	v9 =	vadd.f32 $-1.666666720e-01, v12;
	v12 =	vmul.f32 v15, v23;
	v15 =	vmul.f32 v17, v17  }
0x161: {  	v29 =	vmul.f32 v30, v28;
	v27 =	vadd.f32 $-1.666666720e-01, v27;
	v8 =	vadd.f32 v8, v31  }
0x162: {  	v9 =	vmul.f32 v9, v24;
	v24 =	vld [tilespmem:s28+$0xFFFFFFF0];
	v12 =	vadd.f32 $1.000000000e+00, v12;
	v30 =	vmul.f32 $1.984127010e-04, v15  }
0x163: {  	v23 =	vmul.f32 v20, v20;
	v26 =	vmul.f32 v27, v26;
	[tilespmem:s28+$0x0] =	vst v8;
	v8 =	vadd.f32 $-1.666666720e-01, v29  }
0x164: {  	v9 =	vadd.f32 $1.000000000e+00, v9;
	v12 =	vmul.f32 v12, v18;
	v27 =	vsub.f32 $8.333333770e-03, v30;
	v18 =	vld [tilespmem:s12+$0x10]  }
0x165: {  	s8 =	simm.s32 $0xC8C0;
	v31 =	vmul.f32 $1.984127010e-04, v23;
	v28 =	vmul.f32 v8, v28  }
0x166: {  	v21 =	vmul.f32 v9, v21;
	v9 =	vadd.f32 $1.000000000e+00, v26;
	v26 =	vmul.f32 v27, v15;
	v27 =	vld [tilespmem:s8+$0x0]  }
0x167: {  	v34 =	vld [tilespmem:s8+$0x30];
	v11 =	vadd.f32 v12, v11;
	v8 =	vmul.f32 v24, v3;
	v12 =	vadd.f32 $1.000000000e+00, v28  }
0x168: {  	v29 =	vld [tilespmem:s12+$0xFFFFFFC0];
	v30 =	vmul.f32 v13, v5;
	v28 =	vmul.f32 v10, v7;
	v13 =	vadd.f32 $-1.666666720e-01, v26  }
0x169: {  	v10 =	vld [tilespmem:s8+$0x20];
	v26 =	vmul.f32 v8, v8;
	v11 =	vadd.f32 v11, v18;
	v12 =	vmul.f32 v12, v25  }
0x16a: {  	v18 =	vmul.f32 v9, v22;
	v22 =	vld [tilespmem:s8+$0x10];
	v9 =	vsub.f32 $8.333333770e-03, v31;
	v15 =	vmul.f32 v13, v15  }
0x16b: {  	v25 =	vmul.f32 v14, v6;
	v13 =	vld [tilespmem:s8+$0xFFFFFFD0];
	v56 =	vmul.f32 v27, v0  }
0x16c: {  	v31 =	vld [tilespmem:s8+$0xFFFFFFE0];
	v27 =	vmul.f32 v27, v4;
	v12 =	vadd.f32 v12, v16;
	v16 =	vmul.f32 v9, v23  }
0x16d: {  	v15 =	vadd.f32 $1.000000000e+00, v15;
	v9 =	vmul.f32 v34, v3;
	v57 =	vmul.f32 v56, v56  }
0x16e: {  	[tilespmem:s28+$0x10] =	vst v11;
	v14 =	vmul.f32 v10, v2;
	v11 =	vadd.f32 v12, v29;
	v12 =	vmul.f32 $1.984127010e-04, v26  }
0x16f: {  	v29 =	vld [tilespmem:s12+$0x20];
	v16 =	vadd.f32 $-1.666666720e-01, v16;
	v15 =	vmul.f32 v15, v17;
	v35 =	vmul.f32 v22, v1  }
0x170: {  	v18 =	vadd.f32 v18, v25;
	v17 =	vmul.f32 $1.984127010e-04, v57;
	v37 =	vmul.f32 v13, v1  }
0x171: {  	[tilespmem:s28+$0xFFFFFFC0] =	vst v11;
	v36 =	vsub.f32 $8.333333770e-03, v12;
	v23 =	vmul.f32 v16, v23;
	v16 =	vld [tilespmem:s8+$0xFFFFFFC0];
	v11 =	vmul.f32 v31, v6  }
0x172: {  	v12 =	vmul.f32 v31, v2;
	v31 =	vmul.f32 v14, v14;
	v17 =	vsub.f32 $8.333333770e-03, v17  }
0x173: {  	v21 =	vadd.f32 v21, v30;
	v30 =	vld [tilespmem:s12+$0xFFFFFFD0];
	v25 =	vmul.f32 v37, v37;
	v38 =	vmul.f32 v35, v35  }
0x174: {  	v23 =	vadd.f32 $1.000000000e+00, v23;
	v18 =	vadd.f32 v18, v29;
	v29 =	vmul.f32 v17, v57  }
0x175: {  	v15 =	vadd.f32 v15, v28;
	v28 =	vmul.f32 $1.984127010e-04, v25;
	v39 =	vmul.f32 $1.984127010e-04, v38  }
0x176: {  	v60 =	vmul.f32 v23, v20;
	[tilespmem:s28+$0x20] =	vst v18;
	v17 =	vmul.f32 v16, v0;
	v18 =	vadd.f32 $-1.666666720e-01, v29  }
0x177: {  	v29 =	vmul.f32 $1.984127010e-04, v31;
	v28 =	vsub.f32 $8.333333770e-03, v28;
	v59 =	vsub.f32 $8.333333770e-03, v39  }
0x178: {  	v21 =	vadd.f32 v21, v30;
	v30 =	vmul.f32 v36, v26;
	v58 =	vld [tilespmem:s12+$0x30];
	v18 =	vmul.f32 v18, v57  }
0x179: {  	v40 =	vmul.f32 v17, v17;
	v29 =	vsub.f32 $8.333333770e-03, v29;
	v28 =	vmul.f32 v28, v25  }
0x17a: {  	s9 =	simm.s32 $0x12CC0;
	v33 =	vmul.f32 v59, v38;
	v30 =	vadd.f32 $-1.666666720e-01, v30;
	v18 =	vadd.f32 $1.000000000e+00, v18  }
0x17b: {  	v20 =	vmul.f32 $1.984127010e-04, v40;
	v23 =	vmul.f32 v29, v31;
	v28 =	vadd.f32 $-1.666666720e-01, v28;
	v29 =	vld [tilespmem:s9+$0x0]  }
0x17c: {  	v19 =	vadd.f32 v60, v19;
	v30 =	vmul.f32 v30, v26;
	v32 =	vmul.f32 v18, v56  }
0x17d: {  	[tilespmem:s28+$0xFFFFFFD0] =	vst v21;
	v36 =	vadd.f32 v15, v58;
	v15 =	vsub.f32 $8.333333770e-03, v20;
	v21 =	vmul.f32 v28, v25  }
0x17e: {  	v25 =	vadd.f32 $-1.666666720e-01, v33;
	v20 =	vmul.f32 v24, v7;
	v24 =	vld [tilespmem:s12+$0xFFFFFFE0];
	v27 =	vadd.f32 v32, v27  }
0x17f: {  	v18 =	vmul.f32 v12, v12;
	v61 =	vadd.f32 $-1.666666720e-01, v23;
	v23 =	vmul.f32 v9, v9  }
0x180: {  	v28 =	vmul.f32 v15, v40;
	v25 =	vmul.f32 v25, v38;
	v15 =	vld [tilespmem:s8+$0xFFFFFFF0];
	v29 =	vadd.f32 v27, v29  }
0x181: {  	v26 =	vmul.f32 $1.984127010e-04, v18;
	v31 =	vmul.f32 v61, v31;
	v21 =	vadd.f32 $1.000000000e+00, v21  }
0x182: {  	v62 =	vmul.f32 $1.984127010e-04, v23;
	v25 =	vadd.f32 $1.000000000e+00, v25;
	v27 =	vadd.f32 $1.000000000e+00, v30;
	[tilespmem:s8+$0x0] =	vst v29  }
0x183: {  	v28 =	vadd.f32 $-1.666666720e-01, v28;
	v19 =	vadd.f32 v19, v24;
	v24 =	vmul.f32 v21, v37;
	v30 =	vld [tilespmem:s9+$0x10]  }
0x184: {  	v63 =	vsub.f32 $8.333333770e-03, v62;
	v21 =	vmul.f32 v22, v5;
	v35 =	vmul.f32 v25, v35  }
0x185: {  	v22 =	vadd.f32 $1.000000000e+00, v31;
	v33 =	vmul.f32 v28, v40;
	v29 =	vld [tilespmem:s9+$0xFFFFFFC0];
	v25 =	vmul.f32 v15, v3;
	[tilespmem:s28+$0xFFFFFFE0] =	vst v19  }
0x186: {  	s13 =	simm.s32 $0xC940;
	s20 =	simm.s32 $0x2;
	[tilespmem:s28+$0x30] =	vst v36;
	v31 =	vmul.f32 v63, v23;
	v32 =	vadd.f32 v35, v21;
	v21 =	vmul.f32 v34, v7;
	v28 =	vld [tilespmem:s12+$0xFFFFFFF0];
	s12 =	simm.s32 $0x12CC0  }
.LBB2_7:
0x187: {  	v34 =	vld [tilespmem:s13+$0x0];
	s20 =	sadd.s32 $0x2, s20;
	v33 =	vadd.f32 $1.000000000e+00, v33;
	v35 =	vmul.f32 v13, v5;
	v13 =	vmul.f32 v27, v8;
	v8 =	vmovc v25  }
0x188: {  	v19 =	vld [tilespmem:s13+$0x30];
	p1 =	slt.u32 s20, $0xC6;
	v27 =	vadd.f32 v32, v30;
	v30 =	vmul.f32 v22, v14;
	v14 =	vadd.f32 $-1.666666720e-01, v31  }
0x189: {  	v16 =	vmul.f32 v16, v4;
	v31 =	vld [tilespmem:s13+$0x20];
	v17 =	vmul.f32 v33, v17;
	v20 =	vadd.f32 v13, v20  }
0x18a: {  	v26 =	vsub.f32 $8.333333770e-03, v26;
	v22 =	vld [tilespmem:s13+$0x10];
	[tilespmem:s8+$0x10] =	vst v27;
	v27 =	vmul.f32 v10, v6;
	v10 =	vmul.f32 v14, v23  }
0x18b: {  	v23 =	vmul.f32 v25, v8;
	v13 =	vld [tilespmem:s13+$0xFFFFFFD0];
	v14 =	vadd.f32 v17, v16;
	v16 =	vadd.f32 v20, v28  }
0x18c: {  	v25 =	vmul.f32 v26, v18;
	v17 =	vld [tilespmem:s13+$0xFFFFFFE0];
	v20 =	vmul.f32 v34, v0;
	v26 =	vadd.f32 $1.000000000e+00, v10  }
0x18d: {  	v32 =	vmul.f32 $1.984127010e-04, v23;
	v28 =	vmul.f32 v19, v3;
	v29 =	vadd.f32 v14, v29;
	v33 =	vld [tilespmem:s9+$0x20];
	[tilespmem:s28+$0xFFFFFFF0] =	vst v16;
	s28 =	smov.u32 s8;
	s8 =	smov.u32 s13  }
0x18e: {  	v25 =	vadd.f32 $-1.666666720e-01, v25;
	v16 =	vld [tilespmem:s13+$0xFFFFFFC0];
	v36 =	vmul.f32 v20, v20;
	v14 =	vmul.f32 v31, v2;
	v10 =	vmovc v31  }
0x18f: {  	v26 =	vmul.f32 v26, v9;
	v31 =	vmul.f32 v22, v1;
	[tilespmem:s28+$0xFFFFFFC0] =	vst v29;
	v29 =	vsub.f32 $8.333333770e-03, v32;
	v9 =	vmovc v28  }
0x190: {  	v24 =	vadd.f32 v24, v35;
	v18 =	vmul.f32 v25, v18;
	v32 =	vmul.f32 $1.984127010e-04, v36;
	v35 =	vld [tilespmem:s9+$0xFFFFFFD0]  }
0x191: {  	v27 =	vadd.f32 v30, v27;
	v25 =	vmul.f32 v13, v1;
	v37 =	vmul.f32 v17, v6  }
0x192: {  	v18 =	vadd.f32 $1.000000000e+00, v18;
	v30 =	vmul.f32 v17, v2;
	v17 =	vsub.f32 $8.333333770e-03, v32  }
0x193: {  	v38 =	vmul.f32 v14, v14;
	v32 =	vmul.f32 v25, v25;
	v27 =	vadd.f32 v27, v33  }
0x194: {  	v21 =	vadd.f32 v26, v21;
	v39 =	vmul.f32 v31, v31;
	v33 =	vmul.f32 v17, v36  }
0x195: {  	v29 =	vmul.f32 v29, v23;
	v26 =	vmul.f32 $1.984127010e-04, v32;
	v24 =	vadd.f32 v24, v35;
	[tilespmem:s28+$0x20] =	vst v27  }
0x196: {  	v17 =	vmul.f32 v16, v0;
	v27 =	vadd.f32 $-1.666666720e-01, v33;
	v33 =	vmul.f32 $1.984127010e-04, v38;
	v35 =	vld [tilespmem:s9+$0x30]  }
0x197: {  	v34 =	vmul.f32 v34, v4;
	v40 =	vmul.f32 $1.984127010e-04, v39;
	v26 =	vsub.f32 $8.333333770e-03, v26;
	[tilespmem:s28+$0xFFFFFFD0] =	vst v24  }
0x198: {  	v41 =	vmul.f32 v17, v17;
	v24 =	vmul.f32 v27, v36;
	v27 =	vsub.f32 $8.333333770e-03, v33;
	v33 =	vld [tilespmem:s9+$0xFFFFFFE0]  }
0x199: {  	v26 =	vmul.f32 v26, v32;
	v36 =	vsub.f32 $8.333333770e-03, v40;
	v40 =	vmul.f32 v18, v12;
	v12 =	vmovc v30  }
0x19a: {  	v18 =	vmul.f32 $1.984127010e-04, v41;
	s9 =	sadd.s32 $0x80, s9;
	v24 =	vadd.f32 $1.000000000e+00, v24;
	v27 =	vmul.f32 v27, v38  }
0x19b: {  	v26 =	vadd.f32 $-1.666666720e-01, v26;
	v36 =	vmul.f32 v36, v39;
	v42 =	vld [tilespmem:s9+$0x0];
	v21 =	vadd.f32 v21, v35  }
0x19c: {  	v29 =	vadd.f32 $-1.666666720e-01, v29;
	v18 =	vsub.f32 $8.333333770e-03, v18;
	v24 =	vmul.f32 v24, v20  }
0x19d: {  	v32 =	vmul.f32 v26, v32;
	v26 =	vadd.f32 $-1.666666720e-01, v36;
	v20 =	vmul.f32 v15, v7  }
0x19e: {  	v35 =	vmul.f32 v18, v41;
	v18 =	vmul.f32 v30, v12;
	v24 =	vadd.f32 v24, v34  }
0x19f: {  	v29 =	vmul.f32 v29, v23;
	v27 =	vadd.f32 $-1.666666720e-01, v27;
	v30 =	vmul.f32 v26, v39  }
0x1a0: {  	v23 =	vmul.f32 v28, v9;
	v26 =	vmul.f32 $1.984127010e-04, v18;
	v15 =	vld [tilespmem:s13+$0xFFFFFFF0];
	v24 =	vadd.f32 v24, v42  }
0x1a1: {  	v36 =	vadd.f32 v40, v11;
	v11 =	vmovc v37;
	v34 =	vmul.f32 v27, v38;
	v28 =	vadd.f32 $1.000000000e+00, v30;
	[tilespmem:s28+$0x30] =	vst v21  }
.Ltmp4:
0x1a2: {  	v27 =	vadd.f32 $1.000000000e+00, v29;
	v21 =	vadd.f32 $1.000000000e+00, v32;
	v32 =	vmul.f32 $1.984127010e-04, v23;
	[tilespmem:s13+$0x0] =	vst v24;
	(pc) =	sbr.rel @p1 .LBB2_7-.Ltmp4, $4  }
0x1a3: {  	v29 =	vadd.f32 $-1.666666720e-01, v35;
	v28 =	vmul.f32 v28, v31;
	v31 =	vadd.f32 v36, v33;
	v30 =	vld [tilespmem:s9+$0x10]  }
0x1a4: {  	v24 =	vmul.f32 v21, v25;
	v21 =	vmul.f32 v22, v5;
	v35 =	vsub.f32 $8.333333770e-03, v32  }
0x1a5: {  	v33 =	vmul.f32 v29, v41;
	v22 =	vadd.f32 $1.000000000e+00, v34;
	v29 =	vld [tilespmem:s9+$0xFFFFFFC0];
	v25 =	vmul.f32 v15, v3;
	[tilespmem:s28+$0xFFFFFFE0] =	vst v31  }
0x1a6: {  	s13 =	sadd.s32 $0x80, s13;
	v32 =	vadd.f32 v28, v21;
	v31 =	vmul.f32 v35, v23;
	v21 =	vmul.f32 v19, v7;
	v28 =	vld [tilespmem:s12+$0xFFFFFFF0];
	s12 =	smov.u32 s9  }
0x1a7: {  	v19 =	vadd.f32 $1.000000000e+00, v33;
	_ =	sdelay $0x1  }
0x1a8: {  	v16 =	vmul.f32 v16, v4;
	v17 =	vmul.f32 v19, v17;
	_ =	sdelay $0x1  }
0x1a9: {  	v16 =	vadd.f32 v17, v16;
	_ =	sdelay $0x1  }
0x1aa: {  	v16 =	vadd.f32 v16, v29;
	_ =	sdelay $0x1  }
0x1ab: {  	v17 =	vsub.f32 $8.333333770e-03, v26;
	[tilespmem:s8+$0xFFFFFFC0] =	vst v16  }
0x1ac: {  	v16 =	vld [tilespmem:s9+$0xFFFFFFD0]  }
0x1ad: {  	v13 =	vmul.f32 v13, v5;
	v17 =	vmul.f32 v17, v18;
	_ =	sdelay $0x1  }
0x1ae: {  	v19 =	vmul.f32 v25, v25;
	v13 =	vadd.f32 v24, v13;
	v17 =	vadd.f32 $-1.666666720e-01, v17  }
0x1af: {  	v24 =	vadd.f32 v32, v30  }
0x1b0: {  	v26 =	vmul.f32 $1.984127010e-04, v19;
	v17 =	vmul.f32 v17, v18;
	v13 =	vadd.f32 v13, v16  }
0x1b1: {  	[tilespmem:s8+$0x10] =	vst v24  }
0x1b2: {  	v18 =	vsub.f32 $8.333333770e-03, v26;
	v17 =	vadd.f32 $1.000000000e+00, v17;
	v16 =	vld [tilespmem:s9+$0x20];
	[tilespmem:s8+$0xFFFFFFD0] =	vst v13  }
0x1b3: {  	v10 =	vmul.f32 v10, v6;
	v13 =	vmul.f32 v22, v14;
	v14 =	vld [tilespmem:s9+$0xFFFFFFE0]  }
0x1b4: {  	v18 =	vmul.f32 v18, v19;
	v12 =	vmul.f32 v17, v12  }
0x1b5: {  	v17 =	vadd.f32 $-1.666666720e-01, v31;
	v10 =	vadd.f32 v13, v10  }
0x1b6: {  	v11 =	vadd.f32 v12, v11;
	v13 =	vadd.f32 $-1.666666720e-01, v18  }
0x1b7: {  	v12 =	vmul.f32 v17, v23;
	v10 =	vadd.f32 v10, v16  }
0x1b8: {  	v13 =	vmul.f32 v13, v19;
	v11 =	vadd.f32 v11, v14  }
0x1b9: {  	v12 =	vadd.f32 $1.000000000e+00, v12;
	[tilespmem:s8+$0x20] =	vst v10  }
0x1ba: {  	v8 =	vmul.f32 v27, v8;
	v13 =	vadd.f32 $1.000000000e+00, v13;
	v10 =	vld [tilespmem:s9+$0x30];
	[tilespmem:s8+$0xFFFFFFE0] =	vst v11  }
0x1bb: {  	v9 =	vmul.f32 v12, v9;
	v11 =	vld [tilespmem:s12+$0xFFFFFFF0]  }
0x1bc: {  	v8 =	vadd.f32 v8, v20;
	v12 =	vmul.f32 v15, v7;
	v13 =	vmul.f32 v13, v25  }
0x1bd: {  	v9 =	vadd.f32 v9, v21  }
0x1be: {  	v8 =	vadd.f32 v8, v28;
	v12 =	vadd.f32 v13, v12  }
0x1bf: {  	s13 =	sadd.s32 s24, s11;
	v9 =	vadd.f32 v9, v10  }
0x1c0: {  	[tilespmem:s28+$0xFFFFFFF0] =	vst v8;
	s9 =	sshll.u32 s13, $0x3;
	v8 =	vadd.f32 v12, v11  }
0x1c1: {  	s9 =	sand.u32 $0x1FFFFF80, s9;
	[tilespmem:s8+$0x30] =	vst v9  }
0x1c2: {  	s20 =	sadd.s32 s4, s9;
	[tilespmem:s8+$0xFFFFFFF0] =	vst v8  }
0x1c3: {  	[hbm4b:s20+s5] =	stream.linear.scatter [tilespmem:s26], [sflag:$0x7], $0x3200, $0x38;
	[tilespmem:$0x15E80] =	vst v63  }
0x1c4: {  	_ =	swait.ge [sflag:s14], $0x3200  }
0x1c5: {  	s9 =	simm.s32 @!p0 $0x80;
	[sflag:s14] =	ssyncset.done $0x0  }
0x1c6: {  	s12 =	simm.s32 @!p0 $0x9600;
	s8 =	sadd.s32 @!p0 $0x3E8, s24;
	[sflag:s14] =	ssyncadd.s32 $0xFFFFCE00  }
0x1c7: {  	[tilespmem:s12], [sflag:$0x2] =	stream.indirect.gather @!p0 [hbm4b:s7+s9], $0x40, s8, s9, $0xb8;
	[tilespmem:$0x15E80] =	vst v63  }
0x1c8: {  	s8 =	sadd.s32 @!p0 $0x468, s24;
	s9 =	simm.s32 @!p0 $0x48;
	s12 =	simm.s32 @!p0 $0xB600  }
0x1c9: {  	[tilespmem:s12], [sflag:$0x2] =	stream.indirect.gather @!p0 [hbm4b:s7+s9], $0x40, s8, s9, $0xb8;
	[tilespmem:$0x15E80] =	vst v63  }
0x1ca: {  	_ =	swait.ge [sflag:s15], $0x2000  }
0x1cb: {  	[sflag:s15] =	ssyncset.done $0x0  }
0x1cc: {  	[sflag:s15] =	ssyncadd.s32 $0xFFFFE000  }
0x1cd: {  	_ =	swait.ge [sflag:s15], $0x1200  }
0x1ce: {  	[sflag:s15] =	ssyncset.done $0x0  }
0x1cf: {  	s28 =	simm.s32 $0xFA40;
	[sflag:s15] =	ssyncadd.s32 $0xFFFFEE00  }
0x1d0: {  	v8 =	vld [tilespmem:s28+$0x0];
	_ =	sdelay $0x4  }
0x1d1: {  	v10 =	vld [tilespmem:s28+$0x30];
	v9 =	vmul.f32 v8, v0  }
0x1d2: {  	v11 =	vld [tilespmem:s28+$0x10]  }
0x1d3: {  	v13 =	vld [tilespmem:s28+$0xFFFFFFD0];
	v12 =	vmul.f32 v9, v9  }
0x1d4: {  	v14 =	vld [tilespmem:s28+$0x20]  }
0x1d5: {  	v16 =	vld [tilespmem:s28+$0xFFFFFFC0];
	v15 =	vmul.f32 $1.984127010e-04, v12  }
0x1d6: {  	v20 =	vld [tilespmem:s28+$0xFFFFFFE0]  }
0x1d7: {  	v17 =	vmul.f32 v10, v3;
	v15 =	vsub.f32 $8.333333770e-03, v15  }
0x1d8: {  	v18 =	vmul.f32 v11, v1;
	v21 =	vmul.f32 v13, v1  }
0x1d9: {  	v22 =	vmul.f32 v14, v2;
	v15 =	vmul.f32 v15, v12  }
0x1da: {  	v25 =	vmul.f32 v16, v0;
	v23 =	vmul.f32 v18, v18  }
0x1db: {  	v19 =	vmul.f32 v20, v6;
	v8 =	vmul.f32 v8, v4;
	v15 =	vadd.f32 $-1.666666720e-01, v15  }
0x1dc: {  	v24 =	vmul.f32 v21, v21;
	v27 =	vmul.f32 $1.984127010e-04, v23  }
0x1dd: {  	v26 =	vmul.f32 v22, v22;
	v12 =	vmul.f32 v15, v12  }
0x1de: {  	v20 =	vmul.f32 v20, v2;
	v27 =	vsub.f32 $8.333333770e-03, v27;
	v15 =	vmul.f32 $1.984127010e-04, v24  }
0x1df: {  	s12 =	simm.s32 $0x12C40;
	v28 =	vmul.f32 v25, v25;
	v29 =	vmul.f32 $1.984127010e-04, v26;
	v12 =	vadd.f32 $1.000000000e+00, v12  }
0x1e0: {  	v31 =	vld [tilespmem:s12+$0x0];
	v11 =	vmul.f32 v11, v5;
	v27 =	vmul.f32 v27, v23;
	v15 =	vsub.f32 $8.333333770e-03, v15  }
0x1e1: {  	v30 =	vmul.f32 $1.984127010e-04, v28;
	v29 =	vsub.f32 $8.333333770e-03, v29;
	v9 =	vmul.f32 v12, v9  }
0x1e2: {  	v16 =	vmul.f32 v16, v4;
	v12 =	vmul.f32 v15, v24;
	v15 =	vadd.f32 $-1.666666720e-01, v27  }
0x1e3: {  	v30 =	vsub.f32 $8.333333770e-03, v30;
	v27 =	vmul.f32 v29, v26;
	v8 =	vadd.f32 v9, v8  }
0x1e4: {  	v9 =	vadd.f32 $-1.666666720e-01, v12;
	v12 =	vmul.f32 v15, v23;
	v15 =	vmul.f32 v17, v17  }
0x1e5: {  	v29 =	vmul.f32 v30, v28;
	v27 =	vadd.f32 $-1.666666720e-01, v27;
	v8 =	vadd.f32 v8, v31  }
0x1e6: {  	v9 =	vmul.f32 v9, v24;
	v24 =	vld [tilespmem:s28+$0xFFFFFFF0];
	v12 =	vadd.f32 $1.000000000e+00, v12;
	v30 =	vmul.f32 $1.984127010e-04, v15  }
0x1e7: {  	v23 =	vmul.f32 v20, v20;
	v26 =	vmul.f32 v27, v26;
	[tilespmem:s28+$0x0] =	vst v8;
	v8 =	vadd.f32 $-1.666666720e-01, v29  }
0x1e8: {  	v9 =	vadd.f32 $1.000000000e+00, v9;
	v12 =	vmul.f32 v12, v18;
	v27 =	vsub.f32 $8.333333770e-03, v30;
	v18 =	vld [tilespmem:s12+$0x10]  }
0x1e9: {  	s8 =	simm.s32 $0xFAC0;
	v31 =	vmul.f32 $1.984127010e-04, v23;
	v28 =	vmul.f32 v8, v28  }
0x1ea: {  	v21 =	vmul.f32 v9, v21;
	v9 =	vadd.f32 $1.000000000e+00, v26;
	v26 =	vmul.f32 v27, v15;
	v27 =	vld [tilespmem:s8+$0x0]  }
0x1eb: {  	v34 =	vld [tilespmem:s8+$0x30];
	v11 =	vadd.f32 v12, v11;
	v8 =	vmul.f32 v24, v3;
	v12 =	vadd.f32 $1.000000000e+00, v28  }
0x1ec: {  	v29 =	vld [tilespmem:s12+$0xFFFFFFC0];
	v30 =	vmul.f32 v13, v5;
	v28 =	vmul.f32 v10, v7;
	v13 =	vadd.f32 $-1.666666720e-01, v26  }
0x1ed: {  	v10 =	vld [tilespmem:s8+$0x20];
	v26 =	vmul.f32 v8, v8;
	v11 =	vadd.f32 v11, v18;
	v12 =	vmul.f32 v12, v25  }
0x1ee: {  	v18 =	vmul.f32 v9, v22;
	v22 =	vld [tilespmem:s8+$0x10];
	v9 =	vsub.f32 $8.333333770e-03, v31;
	v15 =	vmul.f32 v13, v15  }
0x1ef: {  	v25 =	vmul.f32 v14, v6;
	v13 =	vld [tilespmem:s8+$0xFFFFFFD0];
	v56 =	vmul.f32 v27, v0  }
0x1f0: {  	v31 =	vld [tilespmem:s8+$0xFFFFFFE0];
	v27 =	vmul.f32 v27, v4;
	v12 =	vadd.f32 v12, v16;
	v16 =	vmul.f32 v9, v23  }
0x1f1: {  	v15 =	vadd.f32 $1.000000000e+00, v15;
	v9 =	vmul.f32 v34, v3;
	v57 =	vmul.f32 v56, v56  }
0x1f2: {  	[tilespmem:s28+$0x10] =	vst v11;
	v14 =	vmul.f32 v10, v2;
	v11 =	vadd.f32 v12, v29;
	v12 =	vmul.f32 $1.984127010e-04, v26  }
0x1f3: {  	v29 =	vld [tilespmem:s12+$0x20];
	v16 =	vadd.f32 $-1.666666720e-01, v16;
	v15 =	vmul.f32 v15, v17;
	v35 =	vmul.f32 v22, v1  }
0x1f4: {  	v18 =	vadd.f32 v18, v25;
	v17 =	vmul.f32 $1.984127010e-04, v57;
	v37 =	vmul.f32 v13, v1  }
0x1f5: {  	[tilespmem:s28+$0xFFFFFFC0] =	vst v11;
	v36 =	vsub.f32 $8.333333770e-03, v12;
	v23 =	vmul.f32 v16, v23;
	v16 =	vld [tilespmem:s8+$0xFFFFFFC0];
	v11 =	vmul.f32 v31, v6  }
0x1f6: {  	v12 =	vmul.f32 v31, v2;
	v31 =	vmul.f32 v14, v14;
	v17 =	vsub.f32 $8.333333770e-03, v17  }
0x1f7: {  	v21 =	vadd.f32 v21, v30;
	v30 =	vld [tilespmem:s12+$0xFFFFFFD0];
	v25 =	vmul.f32 v37, v37;
	v38 =	vmul.f32 v35, v35  }
0x1f8: {  	v23 =	vadd.f32 $1.000000000e+00, v23;
	v18 =	vadd.f32 v18, v29;
	v29 =	vmul.f32 v17, v57  }
0x1f9: {  	v15 =	vadd.f32 v15, v28;
	v28 =	vmul.f32 $1.984127010e-04, v25;
	v39 =	vmul.f32 $1.984127010e-04, v38  }
0x1fa: {  	v60 =	vmul.f32 v23, v20;
	[tilespmem:s28+$0x20] =	vst v18;
	v17 =	vmul.f32 v16, v0;
	v18 =	vadd.f32 $-1.666666720e-01, v29  }
0x1fb: {  	v29 =	vmul.f32 $1.984127010e-04, v31;
	v28 =	vsub.f32 $8.333333770e-03, v28;
	v59 =	vsub.f32 $8.333333770e-03, v39  }
0x1fc: {  	v21 =	vadd.f32 v21, v30;
	v30 =	vmul.f32 v36, v26;
	v58 =	vld [tilespmem:s12+$0x30];
	v18 =	vmul.f32 v18, v57  }
0x1fd: {  	v40 =	vmul.f32 v17, v17;
	v29 =	vsub.f32 $8.333333770e-03, v29;
	v28 =	vmul.f32 v28, v25  }
0x1fe: {  	s9 =	simm.s32 $0x12CC0;
	v33 =	vmul.f32 v59, v38;
	v30 =	vadd.f32 $-1.666666720e-01, v30;
	v18 =	vadd.f32 $1.000000000e+00, v18  }
0x1ff: {  	v20 =	vmul.f32 $1.984127010e-04, v40;
	v23 =	vmul.f32 v29, v31;
	v28 =	vadd.f32 $-1.666666720e-01, v28;
	v29 =	vld [tilespmem:s9+$0x0]  }
0x200: {  	v19 =	vadd.f32 v60, v19;
	v30 =	vmul.f32 v30, v26;
	v32 =	vmul.f32 v18, v56  }
0x201: {  	[tilespmem:s28+$0xFFFFFFD0] =	vst v21;
	v36 =	vadd.f32 v15, v58;
	v15 =	vsub.f32 $8.333333770e-03, v20;
	v21 =	vmul.f32 v28, v25  }
0x202: {  	v25 =	vadd.f32 $-1.666666720e-01, v33;
	v20 =	vmul.f32 v24, v7;
	v24 =	vld [tilespmem:s12+$0xFFFFFFE0];
	v27 =	vadd.f32 v32, v27  }
0x203: {  	v18 =	vmul.f32 v12, v12;
	v61 =	vadd.f32 $-1.666666720e-01, v23;
	v23 =	vmul.f32 v9, v9  }
0x204: {  	v28 =	vmul.f32 v15, v40;
	v25 =	vmul.f32 v25, v38;
	v15 =	vld [tilespmem:s8+$0xFFFFFFF0];
	v29 =	vadd.f32 v27, v29  }
0x205: {  	v26 =	vmul.f32 $1.984127010e-04, v18;
	v31 =	vmul.f32 v61, v31;
	v21 =	vadd.f32 $1.000000000e+00, v21  }
0x206: {  	v62 =	vmul.f32 $1.984127010e-04, v23;
	v25 =	vadd.f32 $1.000000000e+00, v25;
	v27 =	vadd.f32 $1.000000000e+00, v30;
	[tilespmem:s8+$0x0] =	vst v29  }
0x207: {  	v28 =	vadd.f32 $-1.666666720e-01, v28;
	v19 =	vadd.f32 v19, v24;
	v24 =	vmul.f32 v21, v37;
	v30 =	vld [tilespmem:s9+$0x10]  }
0x208: {  	v63 =	vsub.f32 $8.333333770e-03, v62;
	v21 =	vmul.f32 v22, v5;
	v35 =	vmul.f32 v25, v35  }
0x209: {  	v22 =	vadd.f32 $1.000000000e+00, v31;
	v33 =	vmul.f32 v28, v40;
	v29 =	vld [tilespmem:s9+$0xFFFFFFC0];
	v25 =	vmul.f32 v15, v3;
	[tilespmem:s28+$0xFFFFFFE0] =	vst v19  }
0x20a: {  	s13 =	simm.s32 $0xFB40;
	s20 =	simm.s32 $0x2;
	[tilespmem:s28+$0x30] =	vst v36;
	v31 =	vmul.f32 v63, v23;
	v32 =	vadd.f32 v35, v21;
	v21 =	vmul.f32 v34, v7;
	v28 =	vld [tilespmem:s12+$0xFFFFFFF0];
	s12 =	simm.s32 $0x12CC0  }
.LBB2_9:
0x20b: {  	v34 =	vld [tilespmem:s13+$0x0];
	s20 =	sadd.s32 $0x2, s20;
	v33 =	vadd.f32 $1.000000000e+00, v33;
	v35 =	vmul.f32 v13, v5;
	v13 =	vmul.f32 v27, v8;
	v8 =	vmovc v25  }
0x20c: {  	v19 =	vld [tilespmem:s13+$0x30];
	p1 =	slt.u32 s20, $0xC6;
	v27 =	vadd.f32 v32, v30;
	v30 =	vmul.f32 v22, v14;
	v14 =	vadd.f32 $-1.666666720e-01, v31  }
0x20d: {  	v16 =	vmul.f32 v16, v4;
	v31 =	vld [tilespmem:s13+$0x20];
	v17 =	vmul.f32 v33, v17;
	v20 =	vadd.f32 v13, v20  }
0x20e: {  	v26 =	vsub.f32 $8.333333770e-03, v26;
	v22 =	vld [tilespmem:s13+$0x10];
	[tilespmem:s8+$0x10] =	vst v27;
	v27 =	vmul.f32 v10, v6;
	v10 =	vmul.f32 v14, v23  }
0x20f: {  	v23 =	vmul.f32 v25, v8;
	v13 =	vld [tilespmem:s13+$0xFFFFFFD0];
	v14 =	vadd.f32 v17, v16;
	v16 =	vadd.f32 v20, v28  }
0x210: {  	v25 =	vmul.f32 v26, v18;
	v17 =	vld [tilespmem:s13+$0xFFFFFFE0];
	v20 =	vmul.f32 v34, v0;
	v26 =	vadd.f32 $1.000000000e+00, v10  }
0x211: {  	v32 =	vmul.f32 $1.984127010e-04, v23;
	v28 =	vmul.f32 v19, v3;
	v29 =	vadd.f32 v14, v29;
	v33 =	vld [tilespmem:s9+$0x20];
	[tilespmem:s28+$0xFFFFFFF0] =	vst v16;
	s28 =	smov.u32 s8;
	s8 =	smov.u32 s13  }
0x212: {  	v25 =	vadd.f32 $-1.666666720e-01, v25;
	v16 =	vld [tilespmem:s13+$0xFFFFFFC0];
	v36 =	vmul.f32 v20, v20;
	v14 =	vmul.f32 v31, v2;
	v10 =	vmovc v31  }
0x213: {  	v26 =	vmul.f32 v26, v9;
	v31 =	vmul.f32 v22, v1;
	[tilespmem:s28+$0xFFFFFFC0] =	vst v29;
	v29 =	vsub.f32 $8.333333770e-03, v32;
	v9 =	vmovc v28  }
0x214: {  	v24 =	vadd.f32 v24, v35;
	v18 =	vmul.f32 v25, v18;
	v32 =	vmul.f32 $1.984127010e-04, v36;
	v35 =	vld [tilespmem:s9+$0xFFFFFFD0]  }
0x215: {  	v27 =	vadd.f32 v30, v27;
	v25 =	vmul.f32 v13, v1;
	v37 =	vmul.f32 v17, v6  }
0x216: {  	v18 =	vadd.f32 $1.000000000e+00, v18;
	v30 =	vmul.f32 v17, v2;
	v17 =	vsub.f32 $8.333333770e-03, v32  }
0x217: {  	v38 =	vmul.f32 v14, v14;
	v32 =	vmul.f32 v25, v25;
	v27 =	vadd.f32 v27, v33  }
0x218: {  	v21 =	vadd.f32 v26, v21;
	v39 =	vmul.f32 v31, v31;
	v33 =	vmul.f32 v17, v36  }
0x219: {  	v29 =	vmul.f32 v29, v23;
	v26 =	vmul.f32 $1.984127010e-04, v32;
	v24 =	vadd.f32 v24, v35;
	[tilespmem:s28+$0x20] =	vst v27  }
0x21a: {  	v17 =	vmul.f32 v16, v0;
	v27 =	vadd.f32 $-1.666666720e-01, v33;
	v33 =	vmul.f32 $1.984127010e-04, v38;
	v35 =	vld [tilespmem:s9+$0x30]  }
0x21b: {  	v34 =	vmul.f32 v34, v4;
	v40 =	vmul.f32 $1.984127010e-04, v39;
	v26 =	vsub.f32 $8.333333770e-03, v26;
	[tilespmem:s28+$0xFFFFFFD0] =	vst v24  }
0x21c: {  	v41 =	vmul.f32 v17, v17;
	v24 =	vmul.f32 v27, v36;
	v27 =	vsub.f32 $8.333333770e-03, v33;
	v33 =	vld [tilespmem:s9+$0xFFFFFFE0]  }
0x21d: {  	v26 =	vmul.f32 v26, v32;
	v36 =	vsub.f32 $8.333333770e-03, v40;
	v40 =	vmul.f32 v18, v12;
	v12 =	vmovc v30  }
0x21e: {  	v18 =	vmul.f32 $1.984127010e-04, v41;
	s9 =	sadd.s32 $0x80, s9;
	v24 =	vadd.f32 $1.000000000e+00, v24;
	v27 =	vmul.f32 v27, v38  }
0x21f: {  	v26 =	vadd.f32 $-1.666666720e-01, v26;
	v36 =	vmul.f32 v36, v39;
	v42 =	vld [tilespmem:s9+$0x0];
	v21 =	vadd.f32 v21, v35  }
0x220: {  	v29 =	vadd.f32 $-1.666666720e-01, v29;
	v18 =	vsub.f32 $8.333333770e-03, v18;
	v24 =	vmul.f32 v24, v20  }
0x221: {  	v32 =	vmul.f32 v26, v32;
	v26 =	vadd.f32 $-1.666666720e-01, v36;
	v20 =	vmul.f32 v15, v7  }
0x222: {  	v35 =	vmul.f32 v18, v41;
	v18 =	vmul.f32 v30, v12;
	v24 =	vadd.f32 v24, v34  }
0x223: {  	v29 =	vmul.f32 v29, v23;
	v27 =	vadd.f32 $-1.666666720e-01, v27;
	v30 =	vmul.f32 v26, v39  }
0x224: {  	v23 =	vmul.f32 v28, v9;
	v26 =	vmul.f32 $1.984127010e-04, v18;
	v15 =	vld [tilespmem:s13+$0xFFFFFFF0];
	v24 =	vadd.f32 v24, v42  }
0x225: {  	v36 =	vadd.f32 v40, v11;
	v11 =	vmovc v37;
	v34 =	vmul.f32 v27, v38;
	v28 =	vadd.f32 $1.000000000e+00, v30;
	[tilespmem:s28+$0x30] =	vst v21  }
.Ltmp5:
0x226: {  	v27 =	vadd.f32 $1.000000000e+00, v29;
	v21 =	vadd.f32 $1.000000000e+00, v32;
	v32 =	vmul.f32 $1.984127010e-04, v23;
	[tilespmem:s13+$0x0] =	vst v24;
	(pc) =	sbr.rel @p1 .LBB2_9-.Ltmp5, $4  }
0x227: {  	v29 =	vadd.f32 $-1.666666720e-01, v35;
	v28 =	vmul.f32 v28, v31;
	v31 =	vadd.f32 v36, v33;
	v30 =	vld [tilespmem:s9+$0x10]  }
0x228: {  	v24 =	vmul.f32 v21, v25;
	v21 =	vmul.f32 v22, v5;
	v35 =	vsub.f32 $8.333333770e-03, v32  }
0x229: {  	v33 =	vmul.f32 v29, v41;
	v22 =	vadd.f32 $1.000000000e+00, v34;
	v29 =	vld [tilespmem:s9+$0xFFFFFFC0];
	v25 =	vmul.f32 v15, v3;
	[tilespmem:s28+$0xFFFFFFE0] =	vst v31  }
0x22a: {  	s13 =	sadd.s32 $0x80, s13;
	v32 =	vadd.f32 v28, v21;
	v31 =	vmul.f32 v35, v23;
	v21 =	vmul.f32 v19, v7;
	v28 =	vld [tilespmem:s12+$0xFFFFFFF0];
	s12 =	smov.u32 s9  }
0x22b: {  	v19 =	vadd.f32 $1.000000000e+00, v33;
	_ =	sdelay $0x1  }
0x22c: {  	v16 =	vmul.f32 v16, v4;
	v17 =	vmul.f32 v19, v17;
	_ =	sdelay $0x1  }
0x22d: {  	v16 =	vadd.f32 v17, v16;
	_ =	sdelay $0x1  }
0x22e: {  	v16 =	vadd.f32 v16, v29;
	_ =	sdelay $0x1  }
0x22f: {  	v52 =	vsub.f32 $8.333333770e-03, v26;
	[tilespmem:s8+$0xFFFFFFC0] =	vst v16  }
0x230: {  	v16 =	vld [tilespmem:s9+$0xFFFFFFD0]  }
0x231: {  	v13 =	vmul.f32 v13, v5;
	v17 =	vmul.f32 v52, v18;
	_ =	sdelay $0x1  }
0x232: {  	v53 =	vmul.f32 v25, v25;
	v13 =	vadd.f32 v24, v13;
	v17 =	vadd.f32 $-1.666666720e-01, v17  }
0x233: {  	v54 =	vadd.f32 v32, v30  }
0x234: {  	v55 =	vmul.f32 $1.984127010e-04, v53;
	v17 =	vmul.f32 v17, v18;
	v13 =	vadd.f32 v13, v16  }
0x235: {  	[tilespmem:s8+$0x10] =	vst v54  }
0x236: {  	v56 =	vld [tilespmem:s9+$0x20];
	v57 =	vsub.f32 $8.333333770e-03, v55;
	v17 =	vadd.f32 $1.000000000e+00, v17;
	[tilespmem:s8+$0xFFFFFFD0] =	vst v13  }
0x237: {  	v58 =	vmul.f32 v22, v14;
	v10 =	vmul.f32 v10, v6;
	v59 =	vld [tilespmem:s9+$0xFFFFFFE0]  }
0x238: {  	v18 =	vmul.f32 v57, v53;
	v12 =	vmul.f32 v17, v12  }
0x239: {  	v60 =	vadd.f32 $-1.666666720e-01, v31;
	v10 =	vadd.f32 v58, v10  }
0x23a: {  	v61 =	vadd.f32 $-1.666666720e-01, v18;
	v11 =	vadd.f32 v12, v11  }
0x23b: {  	v62 =	vmul.f32 v60, v23;
	v10 =	vadd.f32 v10, v56  }
0x23c: {  	v13 =	vmul.f32 v61, v53;
	v11 =	vadd.f32 v11, v59  }
0x23d: {  	[tilespmem:s8+$0x20] =	vst v10;
	v12 =	vadd.f32 $1.000000000e+00, v62  }
0x23e: {  	v8 =	vmul.f32 v27, v8;
	v10 =	vld [tilespmem:s9+$0x30];
	v13 =	vadd.f32 $1.000000000e+00, v13;
	[tilespmem:s8+$0xFFFFFFE0] =	vst v11  }
0x23f: {  	v9 =	vmul.f32 v12, v9;
	v11 =	vld [tilespmem:s12+$0xFFFFFFF0]  }
0x240: {  	v63 =	vmul.f32 v15, v7;
	v8 =	vadd.f32 v8, v20;
	v13 =	vmul.f32 v13, v25  }
0x241: {  	v9 =	vadd.f32 v9, v21  }
0x242: {  	v8 =	vadd.f32 v8, v28;
	v12 =	vadd.f32 v13, v63  }
0x243: {  	s25 =	sadd.s32 s6, s25;
	v9 =	vadd.f32 v9, v10  }
0x244: {  	[tilespmem:s28+$0xFFFFFFF0] =	vst v8;
	s9 =	sshll.u32 s25, $0x3;
	v8 =	vadd.f32 v12, v11  }
0x245: {  	s9 =	sand.u32 $0x1FFFFFC0, s9;
	[tilespmem:s8+$0x30] =	vst v9  }
.Ltmp6:
0x246: {  	s28 =	sadd.s32 s4, s9;
	[tilespmem:s8+$0xFFFFFFF0] =	vst v8;
	(pc) =	sbr.rel @p0 .LBB2_12-.Ltmp6, $4  }
0x247: {  	[hbm4b:s28+s5] =	stream.linear.scatter [tilespmem:s31], [sflag:$0x8], $0x3200, $0x38;
	[tilespmem:$0x15E80] =	vst v63  }
0x248: {  	_ =	swait.ge [sflag:s16], $0x3200  }
0x249: {  	[sflag:s16] =	ssyncset.done $0x0  }
0x24a: {  	[sflag:s16] =	ssyncadd.s32 $0xFFFFCE00  }
.Ltmp7:
0x24b: {  	(pc) =	sbr.rel .LBB2_2-.Ltmp7, $4  }
0x24c: {  	s8 =	sadd.s32 $0x4B0, s24  }
0x24d: {  	[tilespmem:s26], [sflag:$0x3] =	stream.indirect.gather [hbm4b:s7+s17], $0x40, s8, s17, $0xb8;
	[tilespmem:$0x15E80] =	vst v63  }
0x24e: {  	s28 =	sadd.s32 $0x530, s24;
	s23 =	sadd.s32 $0x1, s23  }
0x24f: {  	[tilespmem:s29], [sflag:$0x3] =	stream.indirect.gather [hbm4b:s7+s19], $0x40, s28, s19, $0xb8;
	[tilespmem:$0x15E80] =	vst v63  }
.LBB2_13:
0x250: {  	_ =	sfence.sel $0x180000  }
0x251: {  	[bflag:$0x0] =	sbarrier.arrive $0xFFFF  }
0x252: {  	_ =	strace $0x90000047  }
0x253: {  	s0 =	stileid.u32;
	[bflag:$0x2] =	sbarrier.arrive $0xFFFF  }
0x254: {  	p0 =	sne.s32 s0, $0x0;
	s0 =	rddreg [dreg:$0x4]  }
0x255: {  	s0 =	sadd.s32 @!p0 $0x100000, s0  }
0x256: {  	[sflag:s0] =	ssyncadd.tile.s32 @!p0 $0x1;
	_ =	shalt  }
.Lfunc_end2:
_tile_overlayer_lowered:
.L_overlay_start_2:
0x257: {  	(tag) =	ssettag $0x2  }
0x258: {  	s0 =	rddreg [dreg:$0x0];
	s2 =	stileid.u32  }
0x259: {  	s1 =	rddreg [dreg:$0x1];
	p0 =	sne.s32 s2, $0x0  }
0x25a: {  	s3 =	rddreg [dreg:$0x2];
	[bflag:$0x3] =	sbarrier.arrive $0xFFFF;
	s2 =	simm.s32 @!p0 $0x1C09  }
0x25b: {  	[timem:s3], [sflag:s2] =	dma.local @!p0 [hbm:s0], s1  }
0x25c: {  	s0 =	simm.s32 @!p0 $0x9  }
0x25d: {  	_ =	swait.ge @!p0 [sflag:s0], s1  }
0x25e: {  	s1 =	ssub.s32 @!p0 $0x0, s1;
	[sflag:s0] =	ssyncset.done @!p0 $0x0  }
0x25f: {  	[sflag:s0] =	ssyncadd.s32 @!p0 s1  }
0x260: {  	[bflag:$0x3] =	sbarrier.arrive $0xFFFF  }
0x261: {  	_ =	shalt  }

// kernel: sparse-core-data-format-call.cloned.1.call-start
scs
called_computation_lowered:
.L_overlay_start_0:
0x0: {  	s2 =	sld [smem:$0x3FD9]  }
0x1: {  	s3 =	sld [smem:$0x3FFE];
	_ =	sdelay $0x1  }
0x2: {  	s1 =	srdreg.scid  }
0x3: {  	s0 =	sand.u32 $0x1, s1  }
0x4: {  	s18 =	sshll.u32 s0, $0xA;
	s2 =	sadd.s32 s3, s2  }
0x5: {  	s2 =	sadd.s32 s2, s18  }
0x6: {  	[smem:$0x3FC3] =	sst s2  }
0x7: {  	_ = 	snop  }
0x8: {  	s2 =	sld [smem:$0x3FD0];
	(tm) =	ssettm $0x1  }
0x9: {  	s19 =	sld [smem:$0x3FFB];
	_ =	sdelay $0x3  }
0xa: {  	_ =	strace s19  }
0xb: {  	s3 =	sld [smem:$0x3FFC];
	_ =	sdelay $0x3  }
0xc: {  	_ =	strace s3  }
0xd: {  	s3 =	sld [smem:$0x3FFD];
	_ =	sdelay $0x3  }
0xe: {  	_ =	strace s3  }
0xf: {  	_ =	strace $0x8FFFFFFF  }
0x10: {  	s20 =	sld [smem:$0x3FDB];
	_ =	sdelay $0x1  }
0x11: {  	s4 =	simm.s32 $_scs_section_size  }
0x12: {  	s5 =	simm.s32 $_size__tile_overlayer_lowered;
	s6 =	simm.s32 $_tile_overlayer_lowered  }
0x13: {  	s23 =	simm.s32 $0x1BFF;
	s22 =	sshll.u32 s6, $0x1;
	s3 =	sadd.s32 s4, s20  }
0x14: {  	s7 =	simm.s32 $0x0;
	s21 =	sshll.u32 s5, $0x1;
	s5 =	sadd.s32 s22, s3  }
0x15: {  	[timem:s7], [sflag:s23] =	dma.local [hbm:s5], s21  }
0x16: {  	_ =	swait.ge [sflag:s23], s21  }
0x17: {  	s4 =	ssub.s32 $0x0, s21;
	[sflag:s23] =	ssyncset.done $0x0  }
0x18: {  	[sflag:s23] =	ssyncadd.s32 s4;
	_ =	sdelay $0x1  }
0x19: {  	s24 =	simm.s32 $0x1B8B  }
0x1a: {  	_ =	swait.ge [sflag:s24], $0x1  }
0x1b: {  	[sflag:s24] =	ssyncset.done $0x0  }
0x1c: {  	s26 =	simm.s32 $0x1B8E;
	s25 =	sld [smem:$0x3FFE];
	[sflag:s24] =	ssyncadd.s32 $0xFFFFFFFF  }
0x1d: {  	s27 =	simm.s32 $execute0_lowered;
	[smem:$0x3FD2] =	sst s26  }
0x1e: {  	s5 =	sshll.u32 s27, $0x1;
	_ =	strace $0x80000049;
	[dreg:$0x1] =	wrdreg $0xFFFFFFFF  }
0x1f: {  	s28 =	simm.s32 $_size_execute0_lowered;
	s3 =	sadd.s32 s3, s5;
	[dreg:$0x0] =	wrdreg $0x0  }
0x20: {  	s5 =	sshll.u32 s28, $0x1;
	[dreg:$0x2] =	wrdreg s3  }
0x21: {  	[dreg:$0x3] =	wrdreg s5  }
0x22: {  	[dreg:$0x4] =	wrdreg $0xC0  }
0x23: {  	_ =	task [dreg:s7], $0x5FFFF  }
0x24: {  	[dreg:$0x1] =	wrdreg $0xFFFFFFFF  }
0x25: {  	[dreg:$0x0] =	wrdreg $0x60  }
0x26: {  	[dreg:$0x2] =	wrdreg s25  }
0x27: {  	[dreg:$0x3] =	wrdreg s2  }
0x28: {  	[dreg:$0x4] =	wrdreg $0x9  }
0x29: {  	_ =	task.clear_ibuf [dreg:s7], $0x5FFFF;
	_ =	strace $0x90000049  }
0x2a: {  	s29 =	simm.s32 $0x9;
	_ =	strace $0x8000004B  }
0x2b: {  	_ =	swait.ge [sflag:s29], $0x1  }
0x2c: {  	[sflag:s29] =	ssyncadd.s32 $0xFFFFFFFF  }
0x2d: {  	_ =	strace $0x9000004B  }
0x2e: {  	_ =	sfence  }
0x2f: {  	s30 =	sld [smem:$0x0];
	_ =	sdelay $0x2  }
0x30: {  	s31 =	sshll.u32 s1, $0xD;
	s1 =	sshrl.u32 s1, $0x2  }
0x31: {  	s3 =	sand.u32 $0x4000, s31;
	s1 =	sadd.s32 s1, s30  }
0x32: {  	s0 =	sor.u32 s3, s0;
	s1 =	sshll.u32 s1, $0x11  }
0x33: {  	s0 =	sor.u32 s1, s0  }
0x34: {  	s0 =	sadd.s32 $0x8F2B, s0  }
0x35: {  	[sflag:s0] =	ssyncadd.remote.s32 $0x1  }
0x36: {  	_ =	sfence.sel $0xFFFF  }
0x37: {  	[dreg:$0x0] =	wrdreg $0xFFFFFFFF;
	(pc) =	sbr.abs _section_cstart, $3  }
0x38: {  	[dreg:$0x1] =	wrdreg $0xFFFFFFFF  }
0x39: {  	_ =	task.clear_ibuf [dreg:s7], $0x2FFFF;
	_ =	strace $0x9FFFFFFF  }
0x3a: {  	(tm) =	ssettm $0x7FFFFFFF  }
0x3b: {  	_ =	shalt  }
tec
execute0_lowered:
.L_overlay_start_1:
0x0: {  	(tag) =	ssettag $0x1  }
0x1: {  	s0 =	srdreg.scid  }
0x2: {  	s1 =	sshll.u32 s0, $0x4  }
0x3: {  	s0 =	stileid.u32;
	s1 =	sand.u32 $0x10, s1  }
0x4: {  	s1 =	sor.u32 s0, s1  }
0x5: {  	s6 =	rddreg [dreg:$0x0];
	s4 =	simm.s32 $0x1;
	s2 =	sshll.u32 s1, $0x7  }
0x6: {  	s7 =	simm.s32 $0x2;
	s12 =	simm.s32 $0x0;
	s1 =	ssub.s32 $0x1000, s2  }
0x7: {  	s8 =	simm.s32 $0x8000;
	s13 =	simm.s32 $0x0;
	s3 =	sand.u32 $0xF80, s1  }
0x8: {  	s9 =	simm.s32 $0x0;
	s5 =	sshrl.u32 s1, $0xC;
	p0 =	sne.s32 s3, $0x0  }
.Ltmp0:
0x9: {  	s1 =	rddreg [dreg:$0x2];
	s4 =	simm.s32 @!p0 $0x0;
	(pc) =	sbr.rel .LBB1_1-.Ltmp0, $4  }
0xa: {  	s11 =	simm.s32 $0x0;
	s3 =	rddreg [dreg:$0x1];
	s5 =	sadd.s32 s4, s5  }
0xb: {  	_ =	strace $0x8000004A;
	s4 =	simm.s32 $0x1;
	s5 =	smul.u32 $0xC8, s5  }
0xc: {  	s6 =	sadd.s32 $0xC00, s6;
	s10 =	smov.u32 s2;
	[sflag:s4] =	ssyncpa.u1 $0x0  }
0xd: {  	p0 =	por $0x0, $0x0;
	[sflag:s7] =	ssyncpa.u1 $0x0;
	s7 =	sor.u32 $0x1, s5  }
.LBB1_4:
0xe: {  	s16 =	sshll.u32 s13, $0x3;
	s17 =	sand.u32 $0x78, s13  }
0xf: {  	s30 =	sand.u32 $0x7E00, s13;
	s12 =	sshll.u32 s12, $0xF;
	s16 =	sand.u32 $0xC00, s16  }
0x10: {  	[tilespmem:s15+$0x810 ss:$0x81] =	vst.msk $0xffff, v2;
	s31 =	sand.u32 $0x7, s13;
	s16 =	sor.u32 s17, s16;
	s17 =	sadd.s32 s3, s30  }
0x11: {  	[tilespmem:s15+$0x1020 ss:$0x81] =	vst.msk $0xffff, v0;
	s13 =	sshll.u32 s31, $0x12;
	s12 =	sadd.s32 s12, s17;
	s16 =	sshrl.u32 s16, $0x3  }
0x12: {  	[tilespmem:s15+$0x0 ss:$0x81] =	vst.msk $0xffff, v1;
	s13 =	sor.u32 $0x400, s13;
	s12 =	sadd.s32 s16, s12  }
0x13: {  	[hbm4b:s12+s13] =	stream.strided.scatter [tilespmem:s14], [sflag:$0x2], $0x2000, s8, s13, $0x20;
	[tilespmem:$0x8080] =	vst v63  }
.LBB1_5:
0x14: {  	s14 =	sadd.s32 $0x1, s9  }
0x15: {  	s12 =	sadd.s32 $0x1000, s10;
	s16 =	smov.u32 s10;
	p2 =	sgt.s32 s14, $0xC7  }
0x16: {  	s16 =	smov.u32 @p2 s12  }
0x17: {  	s14 =	simm.s32 @p2 $0x0;
	p2 =	sgt.s32 s16, $0xFFF  }
0x18: {  	s16 =	smov.u32 @p2 s2;
	p2 =	sne.s32 s11, s7  }
.Ltmp1:
0x19: {  	p1 =	slt.u32 s11, $0x2;
	(pc) =	sbr.rel @!p2 .LBB1_6-.Ltmp1, $4  }
0x1a: {  	s15 =	simm.s32 @!p1 $0x2  }
0x1b: {  	s13 =	smov.u32 s10;
	p0 =	por !p0, !p0;
	_ =	swait.ge @!p1 [sflag:s15], $0x2000  }
0x1c: {  	s12 =	smov.u32 s9;
	[sflag:s15] =	ssyncset.done @!p1 $0x0;
	s9 =	smov.u32 s14  }
0x1d: {  	s11 =	sadd.s32 $0x1, s11;
	[sflag:s15] =	ssyncadd.s32 @!p1 $0xFFFFE000;
	s10 =	smov.u32 s16  }
.LBB1_1:
0x1e: {  	p1 =	sge.u32 s11, s5  }
0x1f: {  	s14 =	sand.u32 @!p1 $0x1FFFFFF, s9  }
0x20: {  	s15 =	smulhi.u32 @!p1 $0x147AE15, s14;
	_ =	sdelay $0x1  }
0x21: {  	s15 =	smul.u32 @!p1 $0xC8, s15  }
0x22: {  	s16 =	sxor.u32 @!p1 $0xFFFFFFFF, s11;
	s17 =	smul.u32 @!p1 $0xC80, s10  }
0x23: {  	s31 =	sadd.s32 $0xFFFFFFFF, s11;
	s16 =	sshll.u32 @!p1 s16, $0xD;
	s14 =	ssub.s32 @!p1 s14, s15  }
0x24: {  	s15 =	sand.u32 @!p1 $0x2000, s16;
	s16 =	sadd.s32 @!p1 s6, s17;
	s14 =	sshll.u32 @!p1 s14, $0x4  }
0x25: {  	s17 =	simm.s32 @!p1 $0x6400;
	s14 =	sadd.s32 @!p1 s14, s16;
	s16 =	simm.s32 @!p1 $0x40  }
0x26: {  	[tilespmem:s15], [sflag:$0x1] =	stream.strided.gather @!p1 [hbm4b:s14+s16], $0x2000, s17, s16, $0x38;
	[tilespmem:$0x8080] =	vst v63  }
0x27: {  	p1 =	sge.u32 s31, s5  }
.Ltmp2:
0x28: {  	_ = 	snop;
	(pc) =	sbr.rel @p1 .LBB1_5-.Ltmp2, $1  }
0x29: {  	_ =	sdelay $0x3  }
0x2a: {  	s14 =	simm.s32 $0x1  }
0x2b: {  	_ =	swait.ge [sflag:s4], $0x2000;
	s14 =	simm.s32 @!p0 $0x0  }
0x2c: {  	[sflag:s4] =	ssyncset.done $0x0;
	s15 =	sshll.u32 s14, $0xD  }
0x2d: {  	[sflag:s4] =	ssyncadd.s32 $0xFFFFE000;
	s18 =	sor.u32 $0x20, s15  }
0x2e: {  	s14 =	smul.u32 $0x8100, s14;
	v3 =	vld [tilespmem:s18+$0x10]  }
0x2f: {  	s30 =	sand.u32 $0x1, s11;
	v2 =	vld [tilespmem:s18+$0xFFFFFFF0]  }
0x30: {  	s15 =	smul.u32 $0x8100, s30;
	s14 =	sshrl.u32 s14, $0x2;
	v0 =	vld [tilespmem:s18+$0x0]  }
0x31: {  	v1 =	vld [tilespmem:s18+$0xFFFFFFE0];
	s16 =	sor.u32 $0x4000, s14  }
0x32: {  	s31 =	sshrl.u32 s15, $0x2;
	s15 =	sadd.s32 $0x0, s16  }
0x33: {  	s17 =	simm.s32 $0x4;
	s18 =	sadd.s32 $0x40, s18;
	s14 =	sor.u32 $0x4000, s31;
	[tilespmem:s15+$0x1830 ss:$0x81] =	vst.msk $0xffff, v3  }
.LBB1_3:
0x34: {  	v3 =	vld [tilespmem:s18+$0x10];
	p1 =	sne.s32 s17, $0x1FC;
	[tilespmem:s15+$0x810 ss:$0x81] =	vst.msk $0xffff, v2;
	s19 =	smov.u32 s17;
	s17 =	sadd.s32 $0x4, s17  }
.Ltmp3:
0x35: {  	v2 =	vld [tilespmem:s18+$0xFFFFFFF0];
	[tilespmem:s15+$0x1020 ss:$0x81] =	vst.msk $0xffff, v0;
	(pc) =	sbr.rel @p1 .LBB1_3-.Ltmp3, $4  }
0x36: {  	v0 =	vld [tilespmem:s18+$0x0];
	[tilespmem:s15+$0x0 ss:$0x81] =	vst.msk $0xffff, v1  }
0x37: {  	s15 =	sshra.s32 s19, $0x2;
	v1 =	vld [tilespmem:s18+$0xFFFFFFE0]  }
0x38: {  	s15 =	sadd.s32 s15, s16  }
0x39: {  	s18 =	sadd.s32 $0x40, s18;
	[tilespmem:s15+$0x1830 ss:$0x81] =	vst.msk $0xffff, v3  }
.Ltmp4:
0x3a: {  	_ = 	snop;
	(pc) =	sbr.rel .LBB1_4-.Ltmp4, $1  }
0x3b: {  	_ =	sdelay $0x3  }
.LBB1_6:
0x3c: {  	_ =	sfence.sel $0x180000  }
0x3d: {  	s2 =	simm.s32 $0x1;
	[bflag:$0x0] =	sbarrier.arrive $0xFFFF  }
0x3e: {  	s31 =	simm.s32 $0x2;
	[sflag:s2] =	ssyncpa.u1 $0x1  }
0x3f: {  	[sflag:s31] =	ssyncpa.u1 $0x1  }
0x40: {  	p0 =	sne.s32 s0, $0x0;
	_ =	strace $0x9000004A  }
0x41: {  	s0 =	sadd.s32 @!p0 $0x100000, s1;
	[bflag:$0x2] =	sbarrier.arrive $0xFFFF  }
0x42: {  	[sflag:s0] =	ssyncadd.tile.s32 @!p0 $0x1;
	_ =	shalt  }
.Lfunc_end1:
_tile_overlayer_lowered:
.L_overlay_start_2:
0x43: {  	(tag) =	ssettag $0x2  }
0x44: {  	s0 =	rddreg [dreg:$0x0];
	s2 =	stileid.u32  }
0x45: {  	s1 =	rddreg [dreg:$0x1];
	p0 =	sne.s32 s2, $0x0  }
0x46: {  	s3 =	rddreg [dreg:$0x2];
	[bflag:$0x3] =	sbarrier.arrive $0xFFFF;
	s2 =	simm.s32 @!p0 $0x1C01  }
0x47: {  	[timem:s3], [sflag:s2] =	dma.local @!p0 [hbm:s0], s1  }
0x48: {  	s0 =	simm.s32 @!p0 $0x1  }
0x49: {  	_ =	swait.ge @!p0 [sflag:s0], s1  }
0x4a: {  	s1 =	ssub.s32 @!p0 $0x0, s1;
	[sflag:s0] =	ssyncset.done @!p0 $0x0  }
0x4b: {  	[sflag:s0] =	ssyncadd.s32 @!p0 s1  }
0x4c: {  	[bflag:$0x3] =	sbarrier.arrive $0xFFFF  }
0x4d: {  	_ =	shalt  }

</sc_bundles>
